<compile_context>
chip_gen: v7x
topology: tpu7x:2x2x1
jax: 0.10.2.dev20260603
libtpu: 0.0.44.dev20260713+nightly
codegen_flags: <defaults>
</compile_context>

<pallas_src>
import functools

import jax
import jax.numpy as jnp
from jax import lax
from jax.experimental import pallas as pl
from jax.experimental.pallas import tpu as pltpu
from jax.experimental.pallas import tpu_sc as plsc

_C, _T, _H, _W = 3, 64, 512, 512
_ALPHA = 4
_TS = _T // _ALPHA
_NW = 32


def _copy_body(x_ref, o_ref):
    o_ref[...] = x_ref[...]


_tc_fast_copy = pl.pallas_call(
    _copy_body,
    grid=(_T // 2,),
    in_specs=[pl.BlockSpec((_C, 2, _H, _W), lambda i: (0, i, 0, 0))],
    out_specs=pl.BlockSpec((_C, 2, _H, _W), lambda i: (0, i, 0, 0)),
    out_shape=jax.ShapeDtypeStruct((_C, _T, _H, _W), jnp.float32),
)


def _make_sc_ring_copy(out_shape, nbuf, crows, chunks_total, src_at, dst_at):
    nch = chunks_total // _NW
    nsuper = nch // nbuf

    @functools.partial(
        pl.kernel,
        mesh=plsc.VectorSubcoreMesh(core_axis_name="c", subcore_axis_name="s"),
        out_type=jax.ShapeDtypeStruct(out_shape, jnp.float32),
        scratch_types=[
            [pltpu.VMEM((crows, _W), jnp.float32)] * nbuf,
            [pltpu.SemaphoreType.DMA] * nbuf,
            [pltpu.SemaphoreType.DMA] * nbuf,
        ],
    )
    def sc_copy(in_hbm, out_hbm, bufs, rsems, wsems):
        wid = lax.axis_index("s") * 2 + lax.axis_index("c")
        base = wid * nch

        for j in range(nbuf):
            pltpu.async_copy(src_at(in_hbm, base + j), bufs[j], rsems[j])

        def body(it, carry):
            g0 = base + it * nbuf
            for j in range(nbuf):
                pltpu.make_async_copy(
                    src_at(in_hbm, g0 + j), bufs[j], rsems[j]
                ).wait()
                pltpu.async_copy(bufs[j], dst_at(out_hbm, g0 + j), wsems[j])

            @pl.when(it < nsuper - 1)
            def _():
                for j in range(nbuf):
                    pltpu.make_async_copy(
                        bufs[j], dst_at(out_hbm, g0 + j), wsems[j]
                    ).wait()
                    pltpu.async_copy(
                        src_at(in_hbm, g0 + nbuf + j), bufs[j], rsems[j]
                    )

            return carry

        lax.fori_loop(0, nsuper, body, 0)

        g_last = base + (nsuper - 1) * nbuf
        for j in range(nbuf):
            pltpu.make_async_copy(
                bufs[j], dst_at(out_hbm, g_last + j), wsems[j]
            ).wait()

    return sc_copy


_G_CROWS = 32
_G_CPF = _H // _G_CROWS
_G_TOTAL = _C * _TS * _G_CPF


def _gather_src(ref, g):
    j = g // _G_CPF
    r = (g % _G_CPF) * _G_CROWS
    c = j // _TS
    t = (21 * (j % _TS)) // 5
    return ref.at[c, t, pl.ds(r, _G_CROWS), :]


def _gather_dst(ref, g):
    j = g // _G_CPF
    r = (g % _G_CPF) * _G_CROWS
    return ref.at[j // _TS, j % _TS, pl.ds(r, _G_CROWS), :]


_sc_slow_gather = _make_sc_ring_copy(
    (_C, _TS, _H, _W), 4, _G_CROWS, _G_TOTAL, _gather_src, _gather_dst
)


def kernel(frames):
    slow = _sc_slow_gather(frames)
    fast = _tc_fast_copy(frames)
    return (slow, fast)

# --- scband reference (transcript-rebuilt; emitter-appended) ---
"""Pipeline reference for scband-pack-pathway-17145509446092 (READ-ONLY COPY).

The authoritative reference and input builder live on the scoring server;
editing this copy changes nothing except your own understanding.
"""

import jax, jax.numpy as jnp
import numpy as np


def setup_inputs(seed: int = 0) -> dict:
    key = jax.random.key(seed)
    frames = jax.random.normal(key, (3, 64, 512, 512), dtype=jnp.float32)
    return {"frames": frames}


def reference(frames):
    # PackPathway: fast pathway = frames; slow pathway = temporal subsample by alpha=4
    alpha = 4
    T = frames.shape[1]
    # torch.linspace(0, T-1, T//alpha).long() -> truncation toward zero
    idx = jnp.linspace(0.0, T - 1, T // alpha).astype(jnp.int32)
    slow_pathway = jnp.take(frames, idx, axis=1)
    fast_pathway = frames
    return (slow_pathway, fast_pathway)

if __name__ == "__main__":
    import jax
    _d = setup_inputs()
    print(jax.jit(kernel)(*tuple(_d.values())))

</pallas_src>

<mosaic_0001>
#map = affine_map<(d0, d1) -> (0, 0, 0, 0)>
module attributes {stable_mosaic.version = 14 : i64} {
  func.func @sc_copy(%arg0: i32, %arg1: i32, %arg2: memref<3x64x512x512xf32, #tpu.memory_space<hbm>>, %arg3: memref<3x16x512x512xf32, #tpu.memory_space<hbm>>, %arg4: memref<32x512xf32, #tpu.memory_space<vmem>>, %arg5: memref<32x512xf32, #tpu.memory_space<vmem>>, %arg6: memref<32x512xf32, #tpu.memory_space<vmem>>, %arg7: memref<32x512xf32, #tpu.memory_space<vmem>>, %arg8: memref<!tpu.dma_semaphore, #tpu.memory_space<semaphore_mem>>, %arg9: memref<!tpu.dma_semaphore, #tpu.memory_space<semaphore_mem>>, %arg10: memref<!tpu.dma_semaphore, #tpu.memory_space<semaphore_mem>>, %arg11: memref<!tpu.dma_semaphore, #tpu.memory_space<semaphore_mem>>, %arg12: memref<!tpu.dma_semaphore, #tpu.memory_space<semaphore_mem>>, %arg13: memref<!tpu.dma_semaphore, #tpu.memory_space<semaphore_mem>>, %arg14: memref<!tpu.dma_semaphore, #tpu.memory_space<semaphore_mem>>, %arg15: memref<!tpu.dma_semaphore, #tpu.memory_space<semaphore_mem>>) attributes {dimension_semantics = [#tpu.dimension_semantics<core_parallel>, #tpu.dimension_semantics<subcore_parallel>], iteration_bounds = array<i64: 2, 16>, scalar_prefetch = 0 : i64, scratch_operands = 12 : i64, tpu.core_type = #tpu.core_type<sc_vector_subcore>, window_params = [{transform_indices = #map}, {transform_indices = #map}]} {
    %mul3A = arith.constant 2 : i32
    %mul3A_0 = arith.muli %arg1, %mul3A : i32
    %add3A = arith.addi %mul3A_0, %arg0 : i32
    %mul3A_1 = arith.constant 24 : i32
    %mul3A_2 = arith.muli %add3A, %mul3A_1 : i32
    %add3A_3 = arith.constant 0 : i32
    %add3A_4 = arith.addi %mul3A_2, %add3A_3 : i32
    %jit3A = arith.constant 16 : i32
    %div3A = arith.divsi %add3A_4, %jit3A : i32
    %sign3A = arith.constant 0 : i32
    %sign3A_5 = arith.cmpi sgt, %add3A_4, %sign3A : i32
    %sign3A_6 = arith.extui %sign3A_5 : i1 to i32
    %sign3A_7 = arith.constant 0 : i32
    %sign3A_8 = arith.cmpi slt, %add3A_4, %sign3A_7 : i32
    %sign3A_9 = arith.extui %sign3A_8 : i1 to i32
    %sign3A_10 = arith.subi %sign3A_6, %sign3A_9 : i32
    %sign3A_11 = arith.constant 0 : i32
    %sign3A_12 = arith.cmpi sgt, %jit3A, %sign3A_11 : i32
    %sign3A_13 = arith.extui %sign3A_12 : i1 to i32
    %sign3A_14 = arith.constant 0 : i32
    %sign3A_15 = arith.cmpi slt, %jit3A, %sign3A_14 : i32
    %sign3A_16 = arith.extui %sign3A_15 : i1 to i32
    %sign3A_17 = arith.subi %sign3A_13, %sign3A_16 : i32
    %ne3A = arith.cmpi ne, %sign3A_10, %sign3A_17 : i32
    %rem3A = arith.remsi %add3A_4, %jit3A : i32
    %ne3A_18 = arith.constant 0 : i32
    %ne3A_19 = arith.cmpi ne, %rem3A, %ne3A_18 : i32
    %and3A = arith.andi %ne3A, %ne3A_19 : i1
    %sub3A = arith.constant 1 : i32
    %sub3A_20 = arith.subi %div3A, %sub3A : i32
    %select_n3A = arith.select %and3A, %sub3A_20, %div3A : i32
    %jit3A_21 = arith.constant 16 : i32
    %eq3A = arith.constant 0 : i32
    %eq3A_22 = arith.cmpi eq, %jit3A_21, %eq3A : i32
    %jit3A_23 = arith.constant 1 : i32
    %select_n3A_24 = arith.select %eq3A_22, %jit3A_23, %jit3A_21 : i32
    %rem3A_25 = arith.remsi %add3A_4, %select_n3A_24 : i32
    %ne3A_26 = arith.constant 0 : i32
    %ne3A_27 = arith.cmpi ne, %rem3A_25, %ne3A_26 : i32
    %lt3A = arith.constant 0 : i32
    %lt3A_28 = arith.cmpi slt, %rem3A_25, %lt3A : i32
    %lt3A_29 = arith.constant 0 : i32
    %lt3A_30 = arith.cmpi slt, %select_n3A_24, %lt3A_29 : i32
    %ne3A_31 = arith.xori %lt3A_28, %lt3A_30 : i1
    %and3A_32 = arith.andi %ne3A_31, %ne3A_27 : i1
    %add3A_33 = arith.addi %rem3A_25, %select_n3A_24 : i32
    %select_n3A_34 = arith.select %and3A_32, %add3A_33, %rem3A_25 : i32
    %mul3A_35 = arith.constant 32 : i32
    %mul3A_36 = arith.muli %select_n3A_34, %mul3A_35 : i32
    %jit3A_37 = arith.constant 16 : i32
    %div3A_38 = arith.divsi %select_n3A, %jit3A_37 : i32
    %sign3A_39 = arith.constant 0 : i32
    %sign3A_40 = arith.cmpi sgt, %select_n3A, %sign3A_39 : i32
    %sign3A_41 = arith.extui %sign3A_40 : i1 to i32
    %sign3A_42 = arith.constant 0 : i32
    %sign3A_43 = arith.cmpi slt, %select_n3A, %sign3A_42 : i32
    %sign3A_44 = arith.extui %sign3A_43 : i1 to i32
    %sign3A_45 = arith.subi %sign3A_41, %sign3A_44 : i32
    %sign3A_46 = arith.constant 0 : i32
    %sign3A_47 = arith.cmpi sgt, %jit3A_37, %sign3A_46 : i32
    %sign3A_48 = arith.extui %sign3A_47 : i1 to i32
    %sign3A_49 = arith.constant 0 : i32
    %sign3A_50 = arith.cmpi slt, %jit3A_37, %sign3A_49 : i32
    %sign3A_51 = arith.extui %sign3A_50 : i1 to i32
    %sign3A_52 = arith.subi %sign3A_48, %sign3A_51 : i32
    %ne3A_53 = arith.cmpi ne, %sign3A_45, %sign3A_52 : i32
    %rem3A_54 = arith.remsi %select_n3A, %jit3A_37 : i32
    %ne3A_55 = arith.constant 0 : i32
    %ne3A_56 = arith.cmpi ne, %rem3A_54, %ne3A_55 : i32
    %and3A_57 = arith.andi %ne3A_53, %ne3A_56 : i1
    %sub3A_58 = arith.constant 1 : i32
    %sub3A_59 = arith.subi %div3A_38, %sub3A_58 : i32
    %select_n3A_60 = arith.select %and3A_57, %sub3A_59, %div3A_38 : i32
    %jit3A_61 = arith.constant 16 : i32
    %eq3A_62 = arith.constant 0 : i32
    %eq3A_63 = arith.cmpi eq, %jit3A_61, %eq3A_62 : i32
    %jit3A_64 = arith.constant 1 : i32
    %select_n3A_65 = arith.select %eq3A_63, %jit3A_64, %jit3A_61 : i32
    %rem3A_66 = arith.remsi %select_n3A, %select_n3A_65 : i32
    %ne3A_67 = arith.constant 0 : i32
    %ne3A_68 = arith.cmpi ne, %rem3A_66, %ne3A_67 : i32
    %lt3A_69 = arith.constant 0 : i32
    %lt3A_70 = arith.cmpi slt, %rem3A_66, %lt3A_69 : i32
    %lt3A_71 = arith.constant 0 : i32
    %lt3A_72 = arith.cmpi slt, %select_n3A_65, %lt3A_71 : i32
    %ne3A_73 = arith.xori %lt3A_70, %lt3A_72 : i1
    %and3A_74 = arith.andi %ne3A_73, %ne3A_68 : i1
    %add3A_75 = arith.addi %rem3A_66, %select_n3A_65 : i32
    %select_n3A_76 = arith.select %and3A_74, %add3A_75, %rem3A_66 : i32
    %mul3A_77 = arith.constant 21 : i32
    %mul3A_78 = arith.muli %mul3A_77, %select_n3A_76 : i32
    %jit3A_79 = arith.constant 5 : i32
    %div3A_80 = arith.divsi %mul3A_78, %jit3A_79 : i32
    %sign3A_81 = arith.constant 0 : i32
    %sign3A_82 = arith.cmpi sgt, %mul3A_78, %sign3A_81 : i32
    %sign3A_83 = arith.extui %sign3A_82 : i1 to i32
    %sign3A_84 = arith.constant 0 : i32
    %sign3A_85 = arith.cmpi slt, %mul3A_78, %sign3A_84 : i32
    %sign3A_86 = arith.extui %sign3A_85 : i1 to i32
    %sign3A_87 = arith.subi %sign3A_83, %sign3A_86 : i32
    %sign3A_88 = arith.constant 0 : i32
    %sign3A_89 = arith.cmpi sgt, %jit3A_79, %sign3A_88 : i32
    %sign3A_90 = arith.extui %sign3A_89 : i1 to i32
    %sign3A_91 = arith.constant 0 : i32
    %sign3A_92 = arith.cmpi slt, %jit3A_79, %sign3A_91 : i32
    %sign3A_93 = arith.extui %sign3A_92 : i1 to i32
    %sign3A_94 = arith.subi %sign3A_90, %sign3A_93 : i32
    %ne3A_95 = arith.cmpi ne, %sign3A_87, %sign3A_94 : i32
    %rem3A_96 = arith.remsi %mul3A_78, %jit3A_79 : i32
    %ne3A_97 = arith.constant 0 : i32
    %ne3A_98 = arith.cmpi ne, %rem3A_96, %ne3A_97 : i32
    %and3A_99 = arith.andi %ne3A_95, %ne3A_98 : i1
    %sub3A_100 = arith.constant 1 : i32
    %sub3A_101 = arith.subi %div3A_80, %sub3A_100 : i32
    %select_n3A_102 = arith.select %and3A_99, %sub3A_101, %div3A_80 : i32
    %dma_start3A = arith.constant 0 : i32
    %dma_start3A_103 = tpu.memref_slice %arg2[%select_n3A_60, %select_n3A_102, %mul3A_36, %dma_start3A] : memref<3x64x512x512xf32, #tpu.memory_space<hbm>> -> memref<1x1x32x512xf32, #tpu.memory_space<hbm>>
    %dma_start3A_104 = tpu.memref_squeeze %dma_start3A_103 : memref<1x1x32x512xf32, #tpu.memory_space<hbm>> -> memref<32x512xf32, #tpu.memory_space<hbm>>
    %dma_start3A_105 = arith.constant 0 : i32
    %dma_start3A_106 = tpu.memref_slice %arg2[%select_n3A_60, %select_n3A_102, %mul3A_36, %dma_start3A_105] : memref<3x64x512x512xf32, #tpu.memory_space<hbm>> -> memref<1x1x32x512xf32, #tpu.memory_space<hbm>>
    %dma_start3A_107 = tpu.memref_squeeze %dma_start3A_106 : memref<1x1x32x512xf32, #tpu.memory_space<hbm>> -> memref<32x512xf32, #tpu.memory_space<hbm>>
    tpu.enqueue_dma source(%dma_start3A_107 : memref<32x512xf32, #tpu.memory_space<hbm>>) target(%arg4 : memref<32x512xf32, #tpu.memory_space<vmem>>) target_semaphore(%arg8 : memref<!tpu.dma_semaphore, #tpu.memory_space<semaphore_mem>>)
    %add3A_108 = arith.constant 1 : i32
    %add3A_109 = arith.addi %mul3A_2, %add3A_108 : i32
    %jit3A_110 = arith.constant 16 : i32
    %div3A_111 = arith.divsi %add3A_109, %jit3A_110 : i32
    %sign3A_112 = arith.constant 0 : i32
    %sign3A_113 = arith.cmpi sgt, %add3A_109, %sign3A_112 : i32
    %sign3A_114 = arith.extui %sign3A_113 : i1 to i32
    %sign3A_115 = arith.constant 0 : i32
    %sign3A_116 = arith.cmpi slt, %add3A_109, %sign3A_115 : i32
    %sign3A_117 = arith.extui %sign3A_116 : i1 to i32
    %sign3A_118 = arith.subi %sign3A_114, %sign3A_117 : i32
    %sign3A_119 = arith.constant 0 : i32
    %sign3A_120 = arith.cmpi sgt, %jit3A_110, %sign3A_119 : i32
    %sign3A_121 = arith.extui %sign3A_120 : i1 to i32
    %sign3A_122 = arith.constant 0 : i32
    %sign3A_123 = arith.cmpi slt, %jit3A_110, %sign3A_122 : i32
    %sign3A_124 = arith.extui %sign3A_123 : i1 to i32
    %sign3A_125 = arith.subi %sign3A_121, %sign3A_124 : i32
    %ne3A_126 = arith.cmpi ne, %sign3A_118, %sign3A_125 : i32
    %rem3A_127 = arith.remsi %add3A_109, %jit3A_110 : i32
    %ne3A_128 = arith.constant 0 : i32
    %ne3A_129 = arith.cmpi ne, %rem3A_127, %ne3A_128 : i32
    %and3A_130 = arith.andi %ne3A_126, %ne3A_129 : i1
    %sub3A_131 = arith.constant 1 : i32
    %sub3A_132 = arith.subi %div3A_111, %sub3A_131 : i32
    %select_n3A_133 = arith.select %and3A_130, %sub3A_132, %div3A_111 : i32
    %jit3A_134 = arith.constant 16 : i32
    %eq3A_135 = arith.constant 0 : i32
    %eq3A_136 = arith.cmpi eq, %jit3A_134, %eq3A_135 : i32
    %jit3A_137 = arith.constant 1 : i32
    %select_n3A_138 = arith.select %eq3A_136, %jit3A_137, %jit3A_134 : i32
    %rem3A_139 = arith.remsi %add3A_109, %select_n3A_138 : i32
    %ne3A_140 = arith.constant 0 : i32
    %ne3A_141 = arith.cmpi ne, %rem3A_139, %ne3A_140 : i32
    %lt3A_142 = arith.constant 0 : i32
    %lt3A_143 = arith.cmpi slt, %rem3A_139, %lt3A_142 : i32
    %lt3A_144 = arith.constant 0 : i32
    %lt3A_145 = arith.cmpi slt, %select_n3A_138, %lt3A_144 : i32
    %ne3A_146 = arith.xori %lt3A_143, %lt3A_145 : i1
    %and3A_147 = arith.andi %ne3A_146, %ne3A_141 : i1
    %add3A_148 = arith.addi %rem3A_139, %select_n3A_138 : i32
    %select_n3A_149 = arith.select %and3A_147, %add3A_148, %rem3A_139 : i32
    %mul3A_150 = arith.constant 32 : i32
    %mul3A_151 = arith.muli %select_n3A_149, %mul3A_150 : i32
    %jit3A_152 = arith.constant 16 : i32
    %div3A_153 = arith.divsi %select_n3A_133, %jit3A_152 : i32
    %sign3A_154 = arith.constant 0 : i32
    %sign3A_155 = arith.cmpi sgt, %select_n3A_133, %sign3A_154 : i32
    %sign3A_156 = arith.extui %sign3A_155 : i1 to i32
    %sign3A_157 = arith.constant 0 : i32
    %sign3A_158 = arith.cmpi slt, %select_n3A_133, %sign3A_157 : i32
    %sign3A_159 = arith.extui %sign3A_158 : i1 to i32
    %sign3A_160 = arith.subi %sign3A_156, %sign3A_159 : i32
    %sign3A_161 = arith.constant 0 : i32
    %sign3A_162 = arith.cmpi sgt, %jit3A_152, %sign3A_161 : i32
    %sign3A_163 = arith.extui %sign3A_162 : i1 to i32
    %sign3A_164 = arith.constant 0 : i32
    %sign3A_165 = arith.cmpi slt, %jit3A_152, %sign3A_164 : i32
    %sign3A_166 = arith.extui %sign3A_165 : i1 to i32
    %sign3A_167 = arith.subi %sign3A_163, %sign3A_166 : i32
    %ne3A_168 = arith.cmpi ne, %sign3A_160, %sign3A_167 : i32
    %rem3A_169 = arith.remsi %select_n3A_133, %jit3A_152 : i32
    %ne3A_170 = arith.constant 0 : i32
    %ne3A_171 = arith.cmpi ne, %rem3A_169, %ne3A_170 : i32
    %and3A_172 = arith.andi %ne3A_168, %ne3A_171 : i1
    %sub3A_173 = arith.constant 1 : i32
    %sub3A_174 = arith.subi %div3A_153, %sub3A_173 : i32
    %select_n3A_175 = arith.select %and3A_172, %sub3A_174, %div3A_153 : i32
    %jit3A_176 = arith.constant 16 : i32
    %eq3A_177 = arith.constant 0 : i32
    %eq3A_178 = arith.cmpi eq, %jit3A_176, %eq3A_177 : i32
    %jit3A_179 = arith.constant 1 : i32
    %select_n3A_180 = arith.select %eq3A_178, %jit3A_179, %jit3A_176 : i32
    %rem3A_181 = arith.remsi %select_n3A_133, %select_n3A_180 : i32
    %ne3A_182 = arith.constant 0 : i32
    %ne3A_183 = arith.cmpi ne, %rem3A_181, %ne3A_182 : i32
    %lt3A_184 = arith.constant 0 : i32
    %lt3A_185 = arith.cmpi slt, %rem3A_181, %lt3A_184 : i32
    %lt3A_186 = arith.constant 0 : i32
    %lt3A_187 = arith.cmpi slt, %select_n3A_180, %lt3A_186 : i32
    %ne3A_188 = arith.xori %lt3A_185, %lt3A_187 : i1
    %and3A_189 = arith.andi %ne3A_188, %ne3A_183 : i1
    %add3A_190 = arith.addi %rem3A_181, %select_n3A_180 : i32
    %select_n3A_191 = arith.select %and3A_189, %add3A_190, %rem3A_181 : i32
    %mul3A_192 = arith.constant 21 : i32
    %mul3A_193 = arith.muli %mul3A_192, %select_n3A_191 : i32
    %jit3A_194 = arith.constant 5 : i32
    %div3A_195 = arith.divsi %mul3A_193, %jit3A_194 : i32
    %sign3A_196 = arith.constant 0 : i32
    %sign3A_197 = arith.cmpi sgt, %mul3A_193, %sign3A_196 : i32
    %sign3A_198 = arith.extui %sign3A_197 : i1 to i32
    %sign3A_199 = arith.constant 0 : i32
    %sign3A_200 = arith.cmpi slt, %mul3A_193, %sign3A_199 : i32
    %sign3A_201 = arith.extui %sign3A_200 : i1 to i32
    %sign3A_202 = arith.subi %sign3A_198, %sign3A_201 : i32
    %sign3A_203 = arith.constant 0 : i32
    %sign3A_204 = arith.cmpi sgt, %jit3A_194, %sign3A_203 : i32
    %sign3A_205 = arith.extui %sign3A_204 : i1 to i32
    %sign3A_206 = arith.constant 0 : i32
    %sign3A_207 = arith.cmpi slt, %jit3A_194, %sign3A_206 : i32
    %sign3A_208 = arith.extui %sign3A_207 : i1 to i32
    %sign3A_209 = arith.subi %sign3A_205, %sign3A_208 : i32
    %ne3A_210 = arith.cmpi ne, %sign3A_202, %sign3A_209 : i32
    %rem3A_211 = arith.remsi %mul3A_193, %jit3A_194 : i32
    %ne3A_212 = arith.constant 0 : i32
    %ne3A_213 = arith.cmpi ne, %rem3A_211, %ne3A_212 : i32
    %and3A_214 = arith.andi %ne3A_210, %ne3A_213 : i1
    %sub3A_215 = arith.constant 1 : i32
    %sub3A_216 = arith.subi %div3A_195, %sub3A_215 : i32
    %select_n3A_217 = arith.select %and3A_214, %sub3A_216, %div3A_195 : i32
    %dma_start3A_218 = arith.constant 0 : i32
    %dma_start3A_219 = tpu.memref_slice %arg2[%select_n3A_175, %select_n3A_217, %mul3A_151, %dma_start3A_218] : memref<3x64x512x512xf32, #tpu.memory_space<hbm>> -> memref<1x1x32x512xf32, #tpu.memory_space<hbm>>
    %dma_start3A_220 = tpu.memref_squeeze %dma_start3A_219 : memref<1x1x32x512xf32, #tpu.memory_space<hbm>> -> memref<32x512xf32, #tpu.memory_space<hbm>>
    %dma_start3A_221 = arith.constant 0 : i32
    %dma_start3A_222 = tpu.memref_slice %arg2[%select_n3A_175, %select_n3A_217, %mul3A_151, %dma_start3A_221] : memref<3x64x512x512xf32, #tpu.memory_space<hbm>> -> memref<1x1x32x512xf32, #tpu.memory_space<hbm>>
    %dma_start3A_223 = tpu.memref_squeeze %dma_start3A_222 : memref<1x1x32x512xf32, #tpu.memory_space<hbm>> -> memref<32x512xf32, #tpu.memory_space<hbm>>
    tpu.enqueue_dma source(%dma_start3A_223 : memref<32x512xf32, #tpu.memory_space<hbm>>) target(%arg5 : memref<32x512xf32, #tpu.memory_space<vmem>>) target_semaphore(%arg9 : memref<!tpu.dma_semaphore, #tpu.memory_space<semaphore_mem>>)
    %add3A_224 = arith.constant 2 : i32
    %add3A_225 = arith.addi %mul3A_2, %add3A_224 : i32
    %jit3A_226 = arith.constant 16 : i32
    %div3A_227 = arith.divsi %add3A_225, %jit3A_226 : i32
    %sign3A_228 = arith.constant 0 : i32
    %sign3A_229 = arith.cmpi sgt, %add3A_225, %sign3A_228 : i32
    %sign3A_230 = arith.extui %sign3A_229 : i1 to i32
    %sign3A_231 = arith.constant 0 : i32
    %sign3A_232 = arith.cmpi slt, %add3A_225, %sign3A_231 : i32
    %sign3A_233 = arith.extui %sign3A_232 : i1 to i32
    %sign3A_234 = arith.subi %sign3A_230, %sign3A_233 : i32
    %sign3A_235 = arith.constant 0 : i32
    %sign3A_236 = arith.cmpi sgt, %jit3A_226, %sign3A_235 : i32
    %sign3A_237 = arith.extui %sign3A_236 : i1 to i32
    %sign3A_238 = arith.constant 0 : i32
    %sign3A_239 = arith.cmpi slt, %jit3A_226, %sign3A_238 : i32
    %sign3A_240 = arith.extui %sign3A_239 : i1 to i32
    %sign3A_241 = arith.subi %sign3A_237, %sign3A_240 : i32
    %ne3A_242 = arith.cmpi ne, %sign3A_234, %sign3A_241 : i32
    %rem3A_243 = arith.remsi %add3A_225, %jit3A_226 : i32
    %ne3A_244 = arith.constant 0 : i32
    %ne3A_245 = arith.cmpi ne, %rem3A_243, %ne3A_244 : i32
    %and3A_246 = arith.andi %ne3A_242, %ne3A_245 : i1
    %sub3A_247 = arith.constant 1 : i32
    %sub3A_248 = arith.subi %div3A_227, %sub3A_247 : i32
    %select_n3A_249 = arith.select %and3A_246, %sub3A_248, %div3A_227 : i32
    %jit3A_250 = arith.constant 16 : i32
    %eq3A_251 = arith.constant 0 : i32
    %eq3A_252 = arith.cmpi eq, %jit3A_250, %eq3A_251 : i32
    %jit3A_253 = arith.constant 1 : i32
    %select_n3A_254 = arith.select %eq3A_252, %jit3A_253, %jit3A_250 : i32
    %rem3A_255 = arith.remsi %add3A_225, %select_n3A_254 : i32
    %ne3A_256 = arith.constant 0 : i32
    %ne3A_257 = arith.cmpi ne, %rem3A_255, %ne3A_256 : i32
    %lt3A_258 = arith.constant 0 : i32
    %lt3A_259 = arith.cmpi slt, %rem3A_255, %lt3A_258 : i32
    %lt3A_260 = arith.constant 0 : i32
    %lt3A_261 = arith.cmpi slt, %select_n3A_254, %lt3A_260 : i32
    %ne3A_262 = arith.xori %lt3A_259, %lt3A_261 : i1
    %and3A_263 = arith.andi %ne3A_262, %ne3A_257 : i1
    %add3A_264 = arith.addi %rem3A_255, %select_n3A_254 : i32
    %select_n3A_265 = arith.select %and3A_263, %add3A_264, %rem3A_255 : i32
    %mul3A_266 = arith.constant 32 : i32
    %mul3A_267 = arith.muli %select_n3A_265, %mul3A_266 : i32
    %jit3A_268 = arith.constant 16 : i32
    %div3A_269 = arith.divsi %select_n3A_249, %jit3A_268 : i32
    %sign3A_270 = arith.constant 0 : i32
    %sign3A_271 = arith.cmpi sgt, %select_n3A_249, %sign3A_270 : i32
    %sign3A_272 = arith.extui %sign3A_271 : i1 to i32
    %sign3A_273 = arith.constant 0 : i32
    %sign3A_274 = arith.cmpi slt, %select_n3A_249, %sign3A_273 : i32
    %sign3A_275 = arith.extui %sign3A_274 : i1 to i32
    %sign3A_276 = arith.subi %sign3A_272, %sign3A_275 : i32
    %sign3A_277 = arith.constant 0 : i32
    %sign3A_278 = arith.cmpi sgt, %jit3A_268, %sign3A_277 : i32
    %sign3A_279 = arith.extui %sign3A_278 : i1 to i32
    %sign3A_280 = arith.constant 0 : i32
    %sign3A_281 = arith.cmpi slt, %jit3A_268, %sign3A_280 : i32
    %sign3A_282 = arith.extui %sign3A_281 : i1 to i32
    %sign3A_283 = arith.subi %sign3A_279, %sign3A_282 : i32
    %ne3A_284 = arith.cmpi ne, %sign3A_276, %sign3A_283 : i32
    %rem3A_285 = arith.remsi %select_n3A_249, %jit3A_268 : i32
    %ne3A_286 = arith.constant 0 : i32
    %ne3A_287 = arith.cmpi ne, %rem3A_285, %ne3A_286 : i32
    %and3A_288 = arith.andi %ne3A_284, %ne3A_287 : i1
    %sub3A_289 = arith.constant 1 : i32
    %sub3A_290 = arith.subi %div3A_269, %sub3A_289 : i32
    %select_n3A_291 = arith.select %and3A_288, %sub3A_290, %div3A_269 : i32
    %jit3A_292 = arith.constant 16 : i32
    %eq3A_293 = arith.constant 0 : i32
    %eq3A_294 = arith.cmpi eq, %jit3A_292, %eq3A_293 : i32
    %jit3A_295 = arith.constant 1 : i32
    %select_n3A_296 = arith.select %eq3A_294, %jit3A_295, %jit3A_292 : i32
    %rem3A_297 = arith.remsi %select_n3A_249, %select_n3A_296 : i32
    %ne3A_298 = arith.constant 0 : i32
    %ne3A_299 = arith.cmpi ne, %rem3A_297, %ne3A_298 : i32
    %lt3A_300 = arith.constant 0 : i32
    %lt3A_301 = arith.cmpi slt, %rem3A_297, %lt3A_300 : i32
    %lt3A_302 = arith.constant 0 : i32
    %lt3A_303 = arith.cmpi slt, %select_n3A_296, %lt3A_302 : i32
    %ne3A_304 = arith.xori %lt3A_301, %lt3A_303 : i1
    %and3A_305 = arith.andi %ne3A_304, %ne3A_299 : i1
    %add3A_306 = arith.addi %rem3A_297, %select_n3A_296 : i32
    %select_n3A_307 = arith.select %and3A_305, %add3A_306, %rem3A_297 : i32
    %mul3A_308 = arith.constant 21 : i32
    %mul3A_309 = arith.muli %mul3A_308, %select_n3A_307 : i32
    %jit3A_310 = arith.constant 5 : i32
    %div3A_311 = arith.divsi %mul3A_309, %jit3A_310 : i32
    %sign3A_312 = arith.constant 0 : i32
    %sign3A_313 = arith.cmpi sgt, %mul3A_309, %sign3A_312 : i32
    %sign3A_314 = arith.extui %sign3A_313 : i1 to i32
    %sign3A_315 = arith.constant 0 : i32
    %sign3A_316 = arith.cmpi slt, %mul3A_309, %sign3A_315 : i32
    %sign3A_317 = arith.extui %sign3A_316 : i1 to i32
    %sign3A_318 = arith.subi %sign3A_314, %sign3A_317 : i32
    %sign3A_319 = arith.constant 0 : i32
    %sign3A_320 = arith.cmpi sgt, %jit3A_310, %sign3A_319 : i32
    %sign3A_321 = arith.extui %sign3A_320 : i1 to i32
    %sign3A_322 = arith.constant 0 : i32
    %sign3A_323 = arith.cmpi slt, %jit3A_310, %sign3A_322 : i32
    %sign3A_324 = arith.extui %sign3A_323 : i1 to i32
    %sign3A_325 = arith.subi %sign3A_321, %sign3A_324 : i32
    %ne3A_326 = arith.cmpi ne, %sign3A_318, %sign3A_325 : i32
    %rem3A_327 = arith.remsi %mul3A_309, %jit3A_310 : i32
    %ne3A_328 = arith.constant 0 : i32
    %ne3A_329 = arith.cmpi ne, %rem3A_327, %ne3A_328 : i32
    %and3A_330 = arith.andi %ne3A_326, %ne3A_329 : i1
    %sub3A_331 = arith.constant 1 : i32
    %sub3A_332 = arith.subi %div3A_311, %sub3A_331 : i32
    %select_n3A_333 = arith.select %and3A_330, %sub3A_332, %div3A_311 : i32
    %dma_start3A_334 = arith.constant 0 : i32
    %dma_start3A_335 = tpu.memref_slice %arg2[%select_n3A_291, %select_n3A_333, %mul3A_267, %dma_start3A_334] : memref<3x64x512x512xf32, #tpu.memory_space<hbm>> -> memref<1x1x32x512xf32, #tpu.memory_space<hbm>>
    %dma_start3A_336 = tpu.memref_squeeze %dma_start3A_335 : memref<1x1x32x512xf32, #tpu.memory_space<hbm>> -> memref<32x512xf32, #tpu.memory_space<hbm>>
    %dma_start3A_337 = arith.constant 0 : i32
    %dma_start3A_338 = tpu.memref_slice %arg2[%select_n3A_291, %select_n3A_333, %mul3A_267, %dma_start3A_337] : memref<3x64x512x512xf32, #tpu.memory_space<hbm>> -> memref<1x1x32x512xf32, #tpu.memory_space<hbm>>
    %dma_start3A_339 = tpu.memref_squeeze %dma_start3A_338 : memref<1x1x32x512xf32, #tpu.memory_space<hbm>> -> memref<32x512xf32, #tpu.memory_space<hbm>>
    tpu.enqueue_dma source(%dma_start3A_339 : memref<32x512xf32, #tpu.memory_space<hbm>>) target(%arg6 : memref<32x512xf32, #tpu.memory_space<vmem>>) target_semaphore(%arg10 : memref<!tpu.dma_semaphore, #tpu.memory_space<semaphore_mem>>)
    %add3A_340 = arith.constant 3 : i32
    %add3A_341 = arith.addi %mul3A_2, %add3A_340 : i32
    %jit3A_342 = arith.constant 16 : i32
    %div3A_343 = arith.divsi %add3A_341, %jit3A_342 : i32
    %sign3A_344 = arith.constant 0 : i32
    %sign3A_345 = arith.cmpi sgt, %add3A_341, %sign3A_344 : i32
    %sign3A_346 = arith.extui %sign3A_345 : i1 to i32
    %sign3A_347 = arith.constant 0 : i32
    %sign3A_348 = arith.cmpi slt, %add3A_341, %sign3A_347 : i32
    %sign3A_349 = arith.extui %sign3A_348 : i1 to i32
    %sign3A_350 = arith.subi %sign3A_346, %sign3A_349 : i32
    %sign3A_351 = arith.constant 0 : i32
    %sign3A_352 = arith.cmpi sgt, %jit3A_342, %sign3A_351 : i32
    %sign3A_353 = arith.extui %sign3A_352 : i1 to i32
    %sign3A_354 = arith.constant 0 : i32
    %sign3A_355 = arith.cmpi slt, %jit3A_342, %sign3A_354 : i32
    %sign3A_356 = arith.extui %sign3A_355 : i1 to i32
    %sign3A_357 = arith.subi %sign3A_353, %sign3A_356 : i32
    %ne3A_358 = arith.cmpi ne, %sign3A_350, %sign3A_357 : i32
    %rem3A_359 = arith.remsi %add3A_341, %jit3A_342 : i32
    %ne3A_360 = arith.constant 0 : i32
    %ne3A_361 = arith.cmpi ne, %rem3A_359, %ne3A_360 : i32
    %and3A_362 = arith.andi %ne3A_358, %ne3A_361 : i1
    %sub3A_363 = arith.constant 1 : i32
    %sub3A_364 = arith.subi %div3A_343, %sub3A_363 : i32
    %select_n3A_365 = arith.select %and3A_362, %sub3A_364, %div3A_343 : i32
    %jit3A_366 = arith.constant 16 : i32
    %eq3A_367 = arith.constant 0 : i32
    %eq3A_368 = arith.cmpi eq, %jit3A_366, %eq3A_367 : i32
    %jit3A_369 = arith.constant 1 : i32
    %select_n3A_370 = arith.select %eq3A_368, %jit3A_369, %jit3A_366 : i32
    %rem3A_371 = arith.remsi %add3A_341, %select_n3A_370 : i32
    %ne3A_372 = arith.constant 0 : i32
    %ne3A_373 = arith.cmpi ne, %rem3A_371, %ne3A_372 : i32
    %lt3A_374 = arith.constant 0 : i32
    %lt3A_375 = arith.cmpi slt, %rem3A_371, %lt3A_374 : i32
    %lt3A_376 = arith.constant 0 : i32
    %lt3A_377 = arith.cmpi slt, %select_n3A_370, %lt3A_376 : i32
    %ne3A_378 = arith.xori %lt3A_375, %lt3A_377 : i1
    %and3A_379 = arith.andi %ne3A_378, %ne3A_373 : i1
    %add3A_380 = arith.addi %rem3A_371, %select_n3A_370 : i32
    %select_n3A_381 = arith.select %and3A_379, %add3A_380, %rem3A_371 : i32
    %mul3A_382 = arith.constant 32 : i32
    %mul3A_383 = arith.muli %select_n3A_381, %mul3A_382 : i32
    %jit3A_384 = arith.constant 16 : i32
    %div3A_385 = arith.divsi %select_n3A_365, %jit3A_384 : i32
    %sign3A_386 = arith.constant 0 : i32
    %sign3A_387 = arith.cmpi sgt, %select_n3A_365, %sign3A_386 : i32
    %sign3A_388 = arith.extui %sign3A_387 : i1 to i32
    %sign3A_389 = arith.constant 0 : i32
    %sign3A_390 = arith.cmpi slt, %select_n3A_365, %sign3A_389 : i32
    %sign3A_391 = arith.extui %sign3A_390 : i1 to i32
    %sign3A_392 = arith.subi %sign3A_388, %sign3A_391 : i32
    %sign3A_393 = arith.constant 0 : i32
    %sign3A_394 = arith.cmpi sgt, %jit3A_384, %sign3A_393 : i32
    %sign3A_395 = arith.extui %sign3A_394 : i1 to i32
    %sign3A_396 = arith.constant 0 : i32
    %sign3A_397 = arith.cmpi slt, %jit3A_384, %sign3A_396 : i32
    %sign3A_398 = arith.extui %sign3A_397 : i1 to i32
    %sign3A_399 = arith.subi %sign3A_395, %sign3A_398 : i32
    %ne3A_400 = arith.cmpi ne, %sign3A_392, %sign3A_399 : i32
    %rem3A_401 = arith.remsi %select_n3A_365, %jit3A_384 : i32
    %ne3A_402 = arith.constant 0 : i32
    %ne3A_403 = arith.cmpi ne, %rem3A_401, %ne3A_402 : i32
    %and3A_404 = arith.andi %ne3A_400, %ne3A_403 : i1
    %sub3A_405 = arith.constant 1 : i32
    %sub3A_406 = arith.subi %div3A_385, %sub3A_405 : i32
    %select_n3A_407 = arith.select %and3A_404, %sub3A_406, %div3A_385 : i32
    %jit3A_408 = arith.constant 16 : i32
    %eq3A_409 = arith.constant 0 : i32
    %eq3A_410 = arith.cmpi eq, %jit3A_408, %eq3A_409 : i32
    %jit3A_411 = arith.constant 1 : i32
    %select_n3A_412 = arith.select %eq3A_410, %jit3A_411, %jit3A_408 : i32
    %rem3A_413 = arith.remsi %select_n3A_365, %select_n3A_412 : i32
    %ne3A_414 = arith.constant 0 : i32
    %ne3A_415 = arith.cmpi ne, %rem3A_413, %ne3A_414 : i32
    %lt3A_416 = arith.constant 0 : i32
    %lt3A_417 = arith.cmpi slt, %rem3A_413, %lt3A_416 : i32
    %lt3A_418 = arith.constant 0 : i32
    %lt3A_419 = arith.cmpi slt, %select_n3A_412, %lt3A_418 : i32
    %ne3A_420 = arith.xori %lt3A_417, %lt3A_419 : i1
    %and3A_421 = arith.andi %ne3A_420, %ne3A_415 : i1
    %add3A_422 = arith.addi %rem3A_413, %select_n3A_412 : i32
    %select_n3A_423 = arith.select %and3A_421, %add3A_422, %rem3A_413 : i32
    %mul3A_424 = arith.constant 21 : i32
    %mul3A_425 = arith.muli %mul3A_424, %select_n3A_423 : i32
    %jit3A_426 = arith.constant 5 : i32
    %div3A_427 = arith.divsi %mul3A_425, %jit3A_426 : i32
    %sign3A_428 = arith.constant 0 : i32
    %sign3A_429 = arith.cmpi sgt, %mul3A_425, %sign3A_428 : i32
    %sign3A_430 = arith.extui %sign3A_429 : i1 to i32
    %sign3A_431 = arith.constant 0 : i32
    %sign3A_432 = arith.cmpi slt, %mul3A_425, %sign3A_431 : i32
    %sign3A_433 = arith.extui %sign3A_432 : i1 to i32
    %sign3A_434 = arith.subi %sign3A_430, %sign3A_433 : i32
    %sign3A_435 = arith.constant 0 : i32
    %sign3A_436 = arith.cmpi sgt, %jit3A_426, %sign3A_435 : i32
    %sign3A_437 = arith.extui %sign3A_436 : i1 to i32
    %sign3A_438 = arith.constant 0 : i32
    %sign3A_439 = arith.cmpi slt, %jit3A_426, %sign3A_438 : i32
    %sign3A_440 = arith.extui %sign3A_439 : i1 to i32
    %sign3A_441 = arith.subi %sign3A_437, %sign3A_440 : i32
    %ne3A_442 = arith.cmpi ne, %sign3A_434, %sign3A_441 : i32
    %rem3A_443 = arith.remsi %mul3A_425, %jit3A_426 : i32
    %ne3A_444 = arith.constant 0 : i32
    %ne3A_445 = arith.cmpi ne, %rem3A_443, %ne3A_444 : i32
    %and3A_446 = arith.andi %ne3A_442, %ne3A_445 : i1
    %sub3A_447 = arith.constant 1 : i32
    %sub3A_448 = arith.subi %div3A_427, %sub3A_447 : i32
    %select_n3A_449 = arith.select %and3A_446, %sub3A_448, %div3A_427 : i32
    %dma_start3A_450 = arith.constant 0 : i32
    %dma_start3A_451 = tpu.memref_slice %arg2[%select_n3A_407, %select_n3A_449, %mul3A_383, %dma_start3A_450] : memref<3x64x512x512xf32, #tpu.memory_space<hbm>> -> memref<1x1x32x512xf32, #tpu.memory_space<hbm>>
    %dma_start3A_452 = tpu.memref_squeeze %dma_start3A_451 : memref<1x1x32x512xf32, #tpu.memory_space<hbm>> -> memref<32x512xf32, #tpu.memory_space<hbm>>
    %dma_start3A_453 = arith.constant 0 : i32
    %dma_start3A_454 = tpu.memref_slice %arg2[%select_n3A_407, %select_n3A_449, %mul3A_383, %dma_start3A_453] : memref<3x64x512x512xf32, #tpu.memory_space<hbm>> -> memref<1x1x32x512xf32, #tpu.memory_space<hbm>>
    %dma_start3A_455 = tpu.memref_squeeze %dma_start3A_454 : memref<1x1x32x512xf32, #tpu.memory_space<hbm>> -> memref<32x512xf32, #tpu.memory_space<hbm>>
    tpu.enqueue_dma source(%dma_start3A_455 : memref<32x512xf32, #tpu.memory_space<hbm>>) target(%arg7 : memref<32x512xf32, #tpu.memory_space<vmem>>) target_semaphore(%arg11 : memref<!tpu.dma_semaphore, #tpu.memory_space<semaphore_mem>>)
    %scan3A = arith.constant 0 : i32
    %scan3A_456 = arith.constant 0 : i32
    %scan3A_457 = arith.constant 6 : i32
    %scan3A_458 = arith.addi %scan3A_456, %scan3A_457 : i32
    %scan3A_459 = arith.constant 1 : i32
    scf.for %scan3A_822 = %scan3A_456 to %scan3A_458 step %scan3A_459  : i32 {
      %mul3A_823 = arith.constant 4 : i32
      %mul3A_824 = arith.muli %scan3A_822, %mul3A_823 : i32
      %add3A_825 = arith.addi %mul3A_2, %mul3A_824 : i32
      %add3A_826 = arith.constant 0 : i32
      %add3A_827 = arith.addi %add3A_825, %add3A_826 : i32
      %jit3A_828 = arith.constant 16 : i32
      %div3A_829 = arith.divsi %add3A_827, %jit3A_828 : i32
      %sign3A_830 = arith.constant 0 : i32
      %sign3A_831 = arith.cmpi sgt, %add3A_827, %sign3A_830 : i32
      %sign3A_832 = arith.extui %sign3A_831 : i1 to i32
      %sign3A_833 = arith.constant 0 : i32
      %sign3A_834 = arith.cmpi slt, %add3A_827, %sign3A_833 : i32
      %sign3A_835 = arith.extui %sign3A_834 : i1 to i32
      %sign3A_836 = arith.subi %sign3A_832, %sign3A_835 : i32
      %sign3A_837 = arith.constant 0 : i32
      %sign3A_838 = arith.cmpi sgt, %jit3A_828, %sign3A_837 : i32
      %sign3A_839 = arith.extui %sign3A_838 : i1 to i32
      %sign3A_840 = arith.constant 0 : i32
      %sign3A_841 = arith.cmpi slt, %jit3A_828, %sign3A_840 : i32
      %sign3A_842 = arith.extui %sign3A_841 : i1 to i32
      %sign3A_843 = arith.subi %sign3A_839, %sign3A_842 : i32
      %ne3A_844 = arith.cmpi ne, %sign3A_836, %sign3A_843 : i32
      %rem3A_845 = arith.remsi %add3A_827, %jit3A_828 : i32
      %ne3A_846 = arith.constant 0 : i32
      %ne3A_847 = arith.cmpi ne, %rem3A_845, %ne3A_846 : i32
      %and3A_848 = arith.andi %ne3A_844, %ne3A_847 : i1
      %sub3A_849 = arith.constant 1 : i32
      %sub3A_850 = arith.subi %div3A_829, %sub3A_849 : i32
      %select_n3A_851 = arith.select %and3A_848, %sub3A_850, %div3A_829 : i32
      %jit3A_852 = arith.constant 16 : i32
      %eq3A_853 = arith.constant 0 : i32
      %eq3A_854 = arith.cmpi eq, %jit3A_852, %eq3A_853 : i32
      %jit3A_855 = arith.constant 1 : i32
      %select_n3A_856 = arith.select %eq3A_854, %jit3A_855, %jit3A_852 : i32
      %rem3A_857 = arith.remsi %add3A_827, %select_n3A_856 : i32
      %ne3A_858 = arith.constant 0 : i32
      %ne3A_859 = arith.cmpi ne, %rem3A_857, %ne3A_858 : i32
      %lt3A_860 = arith.constant 0 : i32
      %lt3A_861 = arith.cmpi slt, %rem3A_857, %lt3A_860 : i32
      %lt3A_862 = arith.constant 0 : i32
      %lt3A_863 = arith.cmpi slt, %select_n3A_856, %lt3A_862 : i32
      %ne3A_864 = arith.xori %lt3A_861, %lt3A_863 : i1
      %and3A_865 = arith.andi %ne3A_864, %ne3A_859 : i1
      %add3A_866 = arith.addi %rem3A_857, %select_n3A_856 : i32
      %select_n3A_867 = arith.select %and3A_865, %add3A_866, %rem3A_857 : i32
      %mul3A_868 = arith.constant 32 : i32
      %mul3A_869 = arith.muli %select_n3A_867, %mul3A_868 : i32
      %jit3A_870 = arith.constant 16 : i32
      %div3A_871 = arith.divsi %select_n3A_851, %jit3A_870 : i32
      %sign3A_872 = arith.constant 0 : i32
      %sign3A_873 = arith.cmpi sgt, %select_n3A_851, %sign3A_872 : i32
      %sign3A_874 = arith.extui %sign3A_873 : i1 to i32
      %sign3A_875 = arith.constant 0 : i32
      %sign3A_876 = arith.cmpi slt, %select_n3A_851, %sign3A_875 : i32
      %sign3A_877 = arith.extui %sign3A_876 : i1 to i32
      %sign3A_878 = arith.subi %sign3A_874, %sign3A_877 : i32
      %sign3A_879 = arith.constant 0 : i32
      %sign3A_880 = arith.cmpi sgt, %jit3A_870, %sign3A_879 : i32
      %sign3A_881 = arith.extui %sign3A_880 : i1 to i32
      %sign3A_882 = arith.constant 0 : i32
      %sign3A_883 = arith.cmpi slt, %jit3A_870, %sign3A_882 : i32
      %sign3A_884 = arith.extui %sign3A_883 : i1 to i32
      %sign3A_885 = arith.subi %sign3A_881, %sign3A_884 : i32
      %ne3A_886 = arith.cmpi ne, %sign3A_878, %sign3A_885 : i32
      %rem3A_887 = arith.remsi %select_n3A_851, %jit3A_870 : i32
      %ne3A_888 = arith.constant 0 : i32
      %ne3A_889 = arith.cmpi ne, %rem3A_887, %ne3A_888 : i32
      %and3A_890 = arith.andi %ne3A_886, %ne3A_889 : i1
      %sub3A_891 = arith.constant 1 : i32
      %sub3A_892 = arith.subi %div3A_871, %sub3A_891 : i32
      %select_n3A_893 = arith.select %and3A_890, %sub3A_892, %div3A_871 : i32
      %jit3A_894 = arith.constant 16 : i32
      %eq3A_895 = arith.constant 0 : i32
      %eq3A_896 = arith.cmpi eq, %jit3A_894, %eq3A_895 : i32
      %jit3A_897 = arith.constant 1 : i32
      %select_n3A_898 = arith.select %eq3A_896, %jit3A_897, %jit3A_894 : i32
      %rem3A_899 = arith.remsi %select_n3A_851, %select_n3A_898 : i32
      %ne3A_900 = arith.constant 0 : i32
      %ne3A_901 = arith.cmpi ne, %rem3A_899, %ne3A_900 : i32
      %lt3A_902 = arith.constant 0 : i32
      %lt3A_903 = arith.cmpi slt, %rem3A_899, %lt3A_902 : i32
      %lt3A_904 = arith.constant 0 : i32
      %lt3A_905 = arith.cmpi slt, %select_n3A_898, %lt3A_904 : i32
      %ne3A_906 = arith.xori %lt3A_903, %lt3A_905 : i1
      %and3A_907 = arith.andi %ne3A_906, %ne3A_901 : i1
      %add3A_908 = arith.addi %rem3A_899, %select_n3A_898 : i32
      %select_n3A_909 = arith.select %and3A_907, %add3A_908, %rem3A_899 : i32
      %mul3A_910 = arith.constant 21 : i32
      %mul3A_911 = arith.muli %mul3A_910, %select_n3A_909 : i32
      %jit3A_912 = arith.constant 5 : i32
      %div3A_913 = arith.divsi %mul3A_911, %jit3A_912 : i32
      %sign3A_914 = arith.constant 0 : i32
      %sign3A_915 = arith.cmpi sgt, %mul3A_911, %sign3A_914 : i32
      %sign3A_916 = arith.extui %sign3A_915 : i1 to i32
      %sign3A_917 = arith.constant 0 : i32
      %sign3A_918 = arith.cmpi slt, %mul3A_911, %sign3A_917 : i32
      %sign3A_919 = arith.extui %sign3A_918 : i1 to i32
      %sign3A_920 = arith.subi %sign3A_916, %sign3A_919 : i32
      %sign3A_921 = arith.constant 0 : i32
      %sign3A_922 = arith.cmpi sgt, %jit3A_912, %sign3A_921 : i32
      %sign3A_923 = arith.extui %sign3A_922 : i1 to i32
      %sign3A_924 = arith.constant 0 : i32
      %sign3A_925 = arith.cmpi slt, %jit3A_912, %sign3A_924 : i32
      %sign3A_926 = arith.extui %sign3A_925 : i1 to i32
      %sign3A_927 = arith.subi %sign3A_923, %sign3A_926 : i32
      %ne3A_928 = arith.cmpi ne, %sign3A_920, %sign3A_927 : i32
      %rem3A_929 = arith.remsi %mul3A_911, %jit3A_912 : i32
      %ne3A_930 = arith.constant 0 : i32
      %ne3A_931 = arith.cmpi ne, %rem3A_929, %ne3A_930 : i32
      %and3A_932 = arith.andi %ne3A_928, %ne3A_931 : i1
      %sub3A_933 = arith.constant 1 : i32
      %sub3A_934 = arith.subi %div3A_913, %sub3A_933 : i32
      %select_n3A_935 = arith.select %and3A_932, %sub3A_934, %div3A_913 : i32
      %dma_wait3A_936 = arith.constant 0 : i32
      %dma_wait3A_937 = tpu.memref_slice %arg2[%select_n3A_893, %select_n3A_935, %mul3A_869, %dma_wait3A_936] : memref<3x64x512x512xf32, #tpu.memory_space<hbm>> -> memref<1x1x32x512xf32, #tpu.memory_space<hbm>>
      %dma_wait3A_938 = tpu.memref_squeeze %dma_wait3A_937 : memref<1x1x32x512xf32, #tpu.memory_space<hbm>> -> memref<32x512xf32, #tpu.memory_space<hbm>>
      %dma_wait3A_939 = arith.constant 0 : i32
      %dma_wait3A_940 = tpu.memref_slice %arg2[%select_n3A_893, %select_n3A_935, %mul3A_869, %dma_wait3A_939] : memref<3x64x512x512xf32, #tpu.memory_space<hbm>> -> memref<1x1x32x512xf32, #tpu.memory_space<hbm>>
      %dma_wait3A_941 = tpu.memref_squeeze %dma_wait3A_940 : memref<1x1x32x512xf32, #tpu.memory_space<hbm>> -> memref<32x512xf32, #tpu.memory_space<hbm>>
      tpu.wait_dma2 semaphore(%arg8 : memref<!tpu.dma_semaphore, #tpu.memory_space<semaphore_mem>>) src(%dma_wait3A_941 : memref<32x512xf32, #tpu.memory_space<hbm>>) dst(%arg4 : memref<32x512xf32, #tpu.memory_space<vmem>>)
      %add3A_942 = arith.constant 0 : i32
      %add3A_943 = arith.addi %add3A_825, %add3A_942 : i32
      %jit3A_944 = arith.constant 16 : i32
      %div3A_945 = arith.divsi %add3A_943, %jit3A_944 : i32
      %sign3A_946 = arith.constant 0 : i32
      %sign3A_947 = arith.cmpi sgt, %add3A_943, %sign3A_946 : i32
      %sign3A_948 = arith.extui %sign3A_947 : i1 to i32
      %sign3A_949 = arith.constant 0 : i32
      %sign3A_950 = arith.cmpi slt, %add3A_943, %sign3A_949 : i32
      %sign3A_951 = arith.extui %sign3A_950 : i1 to i32
      %sign3A_952 = arith.subi %sign3A_948, %sign3A_951 : i32
      %sign3A_953 = arith.constant 0 : i32
      %sign3A_954 = arith.cmpi sgt, %jit3A_944, %sign3A_953 : i32
      %sign3A_955 = arith.extui %sign3A_954 : i1 to i32
      %sign3A_956 = arith.constant 0 : i32
      %sign3A_957 = arith.cmpi slt, %jit3A_944, %sign3A_956 : i32
      %sign3A_958 = arith.extui %sign3A_957 : i1 to i32
      %sign3A_959 = arith.subi %sign3A_955, %sign3A_958 : i32
      %ne3A_960 = arith.cmpi ne, %sign3A_952, %sign3A_959 : i32
      %rem3A_961 = arith.remsi %add3A_943, %jit3A_944 : i32
      %ne3A_962 = arith.constant 0 : i32
      %ne3A_963 = arith.cmpi ne, %rem3A_961, %ne3A_962 : i32
      %and3A_964 = arith.andi %ne3A_960, %ne3A_963 : i1
      %sub3A_965 = arith.constant 1 : i32
      %sub3A_966 = arith.subi %div3A_945, %sub3A_965 : i32
      %select_n3A_967 = arith.select %and3A_964, %sub3A_966, %div3A_945 : i32
      %jit3A_968 = arith.constant 16 : i32
      %eq3A_969 = arith.constant 0 : i32
      %eq3A_970 = arith.cmpi eq, %jit3A_968, %eq3A_969 : i32
      %jit3A_971 = arith.constant 1 : i32
      %select_n3A_972 = arith.select %eq3A_970, %jit3A_971, %jit3A_968 : i32
      %rem3A_973 = arith.remsi %add3A_943, %select_n3A_972 : i32
      %ne3A_974 = arith.constant 0 : i32
      %ne3A_975 = arith.cmpi ne, %rem3A_973, %ne3A_974 : i32
      %lt3A_976 = arith.constant 0 : i32
      %lt3A_977 = arith.cmpi slt, %rem3A_973, %lt3A_976 : i32
      %lt3A_978 = arith.constant 0 : i32
      %lt3A_979 = arith.cmpi slt, %select_n3A_972, %lt3A_978 : i32
      %ne3A_980 = arith.xori %lt3A_977, %lt3A_979 : i1
      %and3A_981 = arith.andi %ne3A_980, %ne3A_975 : i1
      %add3A_982 = arith.addi %rem3A_973, %select_n3A_972 : i32
      %select_n3A_983 = arith.select %and3A_981, %add3A_982, %rem3A_973 : i32
      %mul3A_984 = arith.constant 32 : i32
      %mul3A_985 = arith.muli %select_n3A_983, %mul3A_984 : i32
      %jit3A_986 = arith.constant 16 : i32
      %div3A_987 = arith.divsi %select_n3A_967, %jit3A_986 : i32
      %sign3A_988 = arith.constant 0 : i32
      %sign3A_989 = arith.cmpi sgt, %select_n3A_967, %sign3A_988 : i32
      %sign3A_990 = arith.extui %sign3A_989 : i1 to i32
      %sign3A_991 = arith.constant 0 : i32
      %sign3A_992 = arith.cmpi slt, %select_n3A_967, %sign3A_991 : i32
      %sign3A_993 = arith.extui %sign3A_992 : i1 to i32
      %sign3A_994 = arith.subi %sign3A_990, %sign3A_993 : i32
      %sign3A_995 = arith.constant 0 : i32
      %sign3A_996 = arith.cmpi sgt, %jit3A_986, %sign3A_995 : i32
      %sign3A_997 = arith.extui %sign3A_996 : i1 to i32
      %sign3A_998 = arith.constant 0 : i32
      %sign3A_999 = arith.cmpi slt, %jit3A_986, %sign3A_998 : i32
      %sign3A_1000 = arith.extui %sign3A_999 : i1 to i32
      %sign3A_1001 = arith.subi %sign3A_997, %sign3A_1000 : i32
      %ne3A_1002 = arith.cmpi ne, %sign3A_994, %sign3A_1001 : i32
      %rem3A_1003 = arith.remsi %select_n3A_967, %jit3A_986 : i32
      %ne3A_1004 = arith.constant 0 : i32
      %ne3A_1005 = arith.cmpi ne, %rem3A_1003, %ne3A_1004 : i32
      %and3A_1006 = arith.andi %ne3A_1002, %ne3A_1005 : i1
      %sub3A_1007 = arith.constant 1 : i32
      %sub3A_1008 = arith.subi %div3A_987, %sub3A_1007 : i32
      %select_n3A_1009 = arith.select %and3A_1006, %sub3A_1008, %div3A_987 : i32
      %jit3A_1010 = arith.constant 16 : i32
      %eq3A_1011 = arith.constant 0 : i32
      %eq3A_1012 = arith.cmpi eq, %jit3A_1010, %eq3A_1011 : i32
      %jit3A_1013 = arith.constant 1 : i32
      %select_n3A_1014 = arith.select %eq3A_1012, %jit3A_1013, %jit3A_1010 : i32
      %rem3A_1015 = arith.remsi %select_n3A_967, %select_n3A_1014 : i32
      %ne3A_1016 = arith.constant 0 : i32
      %ne3A_1017 = arith.cmpi ne, %rem3A_1015, %ne3A_1016 : i32
      %lt3A_1018 = arith.constant 0 : i32
      %lt3A_1019 = arith.cmpi slt, %rem3A_1015, %lt3A_1018 : i32
      %lt3A_1020 = arith.constant 0 : i32
      %lt3A_1021 = arith.cmpi slt, %select_n3A_1014, %lt3A_1020 : i32
      %ne3A_1022 = arith.xori %lt3A_1019, %lt3A_1021 : i1
      %and3A_1023 = arith.andi %ne3A_1022, %ne3A_1017 : i1
      %add3A_1024 = arith.addi %rem3A_1015, %select_n3A_1014 : i32
      %select_n3A_1025 = arith.select %and3A_1023, %add3A_1024, %rem3A_1015 : i32
      %dma_start3A_1026 = arith.constant 0 : i32
      %dma_start3A_1027 = tpu.memref_slice %arg3[%select_n3A_1009, %select_n3A_1025, %mul3A_985, %dma_start3A_1026] : memref<3x16x512x512xf32, #tpu.memory_space<hbm>> -> memref<1x1x32x512xf32, #tpu.memory_space<hbm>>
      %dma_start3A_1028 = tpu.memref_squeeze %dma_start3A_1027 : memref<1x1x32x512xf32, #tpu.memory_space<hbm>> -> memref<32x512xf32, #tpu.memory_space<hbm>>
      %dma_start3A_1029 = arith.constant 0 : i32
      %dma_start3A_1030 = tpu.memref_slice %arg3[%select_n3A_1009, %select_n3A_1025, %mul3A_985, %dma_start3A_1029] : memref<3x16x512x512xf32, #tpu.memory_space<hbm>> -> memref<1x1x32x512xf32, #tpu.memory_space<hbm>>
      %dma_start3A_1031 = tpu.memref_squeeze %dma_start3A_1030 : memref<1x1x32x512xf32, #tpu.memory_space<hbm>> -> memref<32x512xf32, #tpu.memory_space<hbm>>
      tpu.enqueue_dma source(%arg4 : memref<32x512xf32, #tpu.memory_space<vmem>>) target(%dma_start3A_1031 : memref<32x512xf32, #tpu.memory_space<hbm>>) target_semaphore(%arg12 : memref<!tpu.dma_semaphore, #tpu.memory_space<semaphore_mem>>)
      %add3A_1032 = arith.constant 1 : i32
      %add3A_1033 = arith.addi %add3A_825, %add3A_1032 : i32
      %jit3A_1034 = arith.constant 16 : i32
      %div3A_1035 = arith.divsi %add3A_1033, %jit3A_1034 : i32
      %sign3A_1036 = arith.constant 0 : i32
      %sign3A_1037 = arith.cmpi sgt, %add3A_1033, %sign3A_1036 : i32
      %sign3A_1038 = arith.extui %sign3A_1037 : i1 to i32
      %sign3A_1039 = arith.constant 0 : i32
      %sign3A_1040 = arith.cmpi slt, %add3A_1033, %sign3A_1039 : i32
      %sign3A_1041 = arith.extui %sign3A_1040 : i1 to i32
      %sign3A_1042 = arith.subi %sign3A_1038, %sign3A_1041 : i32
      %sign3A_1043 = arith.constant 0 : i32
      %sign3A_1044 = arith.cmpi sgt, %jit3A_1034, %sign3A_1043 : i32
      %sign3A_1045 = arith.extui %sign3A_1044 : i1 to i32
      %sign3A_1046 = arith.constant 0 : i32
      %sign3A_1047 = arith.cmpi slt, %jit3A_1034, %sign3A_1046 : i32
      %sign3A_1048 = arith.extui %sign3A_1047 : i1 to i32
      %sign3A_1049 = arith.subi %sign3A_1045, %sign3A_1048 : i32
      %ne3A_1050 = arith.cmpi ne, %sign3A_1042, %sign3A_1049 : i32
      %rem3A_1051 = arith.remsi %add3A_1033, %jit3A_1034 : i32
      %ne3A_1052 = arith.constant 0 : i32
      %ne3A_1053 = arith.cmpi ne, %rem3A_1051, %ne3A_1052 : i32
      %and3A_1054 = arith.andi %ne3A_1050, %ne3A_1053 : i1
      %sub3A_1055 = arith.constant 1 : i32
      %sub3A_1056 = arith.subi %div3A_1035, %sub3A_1055 : i32
      %select_n3A_1057 = arith.select %and3A_1054, %sub3A_1056, %div3A_1035 : i32
      %jit3A_1058 = arith.constant 16 : i32
      %eq3A_1059 = arith.constant 0 : i32
      %eq3A_1060 = arith.cmpi eq, %jit3A_1058, %eq3A_1059 : i32
      %jit3A_1061 = arith.constant 1 : i32
      %select_n3A_1062 = arith.select %eq3A_1060, %jit3A_1061, %jit3A_1058 : i32
      %rem3A_1063 = arith.remsi %add3A_1033, %select_n3A_1062 : i32
      %ne3A_1064 = arith.constant 0 : i32
      %ne3A_1065 = arith.cmpi ne, %rem3A_1063, %ne3A_1064 : i32
      %lt3A_1066 = arith.constant 0 : i32
      %lt3A_1067 = arith.cmpi slt, %rem3A_1063, %lt3A_1066 : i32
      %lt3A_1068 = arith.constant 0 : i32
      %lt3A_1069 = arith.cmpi slt, %select_n3A_1062, %lt3A_1068 : i32
      %ne3A_1070 = arith.xori %lt3A_1067, %lt3A_1069 : i1
      %and3A_1071 = arith.andi %ne3A_1070, %ne3A_1065 : i1
      %add3A_1072 = arith.addi %rem3A_1063, %select_n3A_1062 : i32
      %select_n3A_1073 = arith.select %and3A_1071, %add3A_1072, %rem3A_1063 : i32
      %mul3A_1074 = arith.constant 32 : i32
      %mul3A_1075 = arith.muli %select_n3A_1073, %mul3A_1074 : i32
      %jit3A_1076 = arith.constant 16 : i32
      %div3A_1077 = arith.divsi %select_n3A_1057, %jit3A_1076 : i32
      %sign3A_1078 = arith.constant 0 : i32
      %sign3A_1079 = arith.cmpi sgt, %select_n3A_1057, %sign3A_1078 : i32
      %sign3A_1080 = arith.extui %sign3A_1079 : i1 to i32
      %sign3A_1081 = arith.constant 0 : i32
      %sign3A_1082 = arith.cmpi slt, %select_n3A_1057, %sign3A_1081 : i32
      %sign3A_1083 = arith.extui %sign3A_1082 : i1 to i32
      %sign3A_1084 = arith.subi %sign3A_1080, %sign3A_1083 : i32
      %sign3A_1085 = arith.constant 0 : i32
      %sign3A_1086 = arith.cmpi sgt, %jit3A_1076, %sign3A_1085 : i32
      %sign3A_1087 = arith.extui %sign3A_1086 : i1 to i32
      %sign3A_1088 = arith.constant 0 : i32
      %sign3A_1089 = arith.cmpi slt, %jit3A_1076, %sign3A_1088 : i32
      %sign3A_1090 = arith.extui %sign3A_1089 : i1 to i32
      %sign3A_1091 = arith.subi %sign3A_1087, %sign3A_1090 : i32
      %ne3A_1092 = arith.cmpi ne, %sign3A_1084, %sign3A_1091 : i32
      %rem3A_1093 = arith.remsi %select_n3A_1057, %jit3A_1076 : i32
      %ne3A_1094 = arith.constant 0 : i32
      %ne3A_1095 = arith.cmpi ne, %rem3A_1093, %ne3A_1094 : i32
      %and3A_1096 = arith.andi %ne3A_1092, %ne3A_1095 : i1
      %sub3A_1097 = arith.constant 1 : i32
      %sub3A_1098 = arith.subi %div3A_1077, %sub3A_1097 : i32
      %select_n3A_1099 = arith.select %and3A_1096, %sub3A_1098, %div3A_1077 : i32
      %jit3A_1100 = arith.constant 16 : i32
      %eq3A_1101 = arith.constant 0 : i32
      %eq3A_1102 = arith.cmpi eq, %jit3A_1100, %eq3A_1101 : i32
      %jit3A_1103 = arith.constant 1 : i32
      %select_n3A_1104 = arith.select %eq3A_1102, %jit3A_1103, %jit3A_1100 : i32
      %rem3A_1105 = arith.remsi %select_n3A_1057, %select_n3A_1104 : i32
      %ne3A_1106 = arith.constant 0 : i32
      %ne3A_1107 = arith.cmpi ne, %rem3A_1105, %ne3A_1106 : i32
      %lt3A_1108 = arith.constant 0 : i32
      %lt3A_1109 = arith.cmpi slt, %rem3A_1105, %lt3A_1108 : i32
      %lt3A_1110 = arith.constant 0 : i32
      %lt3A_1111 = arith.cmpi slt, %select_n3A_1104, %lt3A_1110 : i32
      %ne3A_1112 = arith.xori %lt3A_1109, %lt3A_1111 : i1
      %and3A_1113 = arith.andi %ne3A_1112, %ne3A_1107 : i1
      %add3A_1114 = arith.addi %rem3A_1105, %select_n3A_1104 : i32
      %select_n3A_1115 = arith.select %and3A_1113, %add3A_1114, %rem3A_1105 : i32
      %mul3A_1116 = arith.constant 21 : i32
      %mul3A_1117 = arith.muli %mul3A_1116, %select_n3A_1115 : i32
      %jit3A_1118 = arith.constant 5 : i32
      %div3A_1119 = arith.divsi %mul3A_1117, %jit3A_1118 : i32
      %sign3A_1120 = arith.constant 0 : i32
      %sign3A_1121 = arith.cmpi sgt, %mul3A_1117, %sign3A_1120 : i32
      %sign3A_1122 = arith.extui %sign3A_1121 : i1 to i32
      %sign3A_1123 = arith.constant 0 : i32
      %sign3A_1124 = arith.cmpi slt, %mul3A_1117, %sign3A_1123 : i32
      %sign3A_1125 = arith.extui %sign3A_1124 : i1 to i32
      %sign3A_1126 = arith.subi %sign3A_1122, %sign3A_1125 : i32
      %sign3A_1127 = arith.constant 0 : i32
      %sign3A_1128 = arith.cmpi sgt, %jit3A_1118, %sign3A_1127 : i32
      %sign3A_1129 = arith.extui %sign3A_1128 : i1 to i32
      %sign3A_1130 = arith.constant 0 : i32
      %sign3A_1131 = arith.cmpi slt, %jit3A_1118, %sign3A_1130 : i32
      %sign3A_1132 = arith.extui %sign3A_1131 : i1 to i32
      %sign3A_1133 = arith.subi %sign3A_1129, %sign3A_1132 : i32
      %ne3A_1134 = arith.cmpi ne, %sign3A_1126, %sign3A_1133 : i32
      %rem3A_1135 = arith.remsi %mul3A_1117, %jit3A_1118 : i32
      %ne3A_1136 = arith.constant 0 : i32
      %ne3A_1137 = arith.cmpi ne, %rem3A_1135, %ne3A_1136 : i32
      %and3A_1138 = arith.andi %ne3A_1134, %ne3A_1137 : i1
      %sub3A_1139 = arith.constant 1 : i32
      %sub3A_1140 = arith.subi %div3A_1119, %sub3A_1139 : i32
      %select_n3A_1141 = arith.select %and3A_1138, %sub3A_1140, %div3A_1119 : i32
      %dma_wait3A_1142 = arith.constant 0 : i32
      %dma_wait3A_1143 = tpu.memref_slice %arg2[%select_n3A_1099, %select_n3A_1141, %mul3A_1075, %dma_wait3A_1142] : memref<3x64x512x512xf32, #tpu.memory_space<hbm>> -> memref<1x1x32x512xf32, #tpu.memory_space<hbm>>
      %dma_wait3A_1144 = tpu.memref_squeeze %dma_wait3A_1143 : memref<1x1x32x512xf32, #tpu.memory_space<hbm>> -> memref<32x512xf32, #tpu.memory_space<hbm>>
      %dma_wait3A_1145 = arith.constant 0 : i32
      %dma_wait3A_1146 = tpu.memref_slice %arg2[%select_n3A_1099, %select_n3A_1141, %mul3A_1075, %dma_wait3A_1145] : memref<3x64x512x512xf32, #tpu.memory_space<hbm>> -> memref<1x1x32x512xf32, #tpu.memory_space<hbm>>
      %dma_wait3A_1147 = tpu.memref_squeeze %dma_wait3A_1146 : memref<1x1x32x512xf32, #tpu.memory_space<hbm>> -> memref<32x512xf32, #tpu.memory_space<hbm>>
      tpu.wait_dma2 semaphore(%arg9 : memref<!tpu.dma_semaphore, #tpu.memory_space<semaphore_mem>>) src(%dma_wait3A_1147 : memref<32x512xf32, #tpu.memory_space<hbm>>) dst(%arg5 : memref<32x512xf32, #tpu.memory_space<vmem>>)
      %add3A_1148 = arith.constant 1 : i32
      %add3A_1149 = arith.addi %add3A_825, %add3A_1148 : i32
      %jit3A_1150 = arith.constant 16 : i32
      %div3A_1151 = arith.divsi %add3A_1149, %jit3A_1150 : i32
      %sign3A_1152 = arith.constant 0 : i32
      %sign3A_1153 = arith.cmpi sgt, %add3A_1149, %sign3A_1152 : i32
      %sign3A_1154 = arith.extui %sign3A_1153 : i1 to i32
      %sign3A_1155 = arith.constant 0 : i32
      %sign3A_1156 = arith.cmpi slt, %add3A_1149, %sign3A_1155 : i32
      %sign3A_1157 = arith.extui %sign3A_1156 : i1 to i32
      %sign3A_1158 = arith.subi %sign3A_1154, %sign3A_1157 : i32
      %sign3A_1159 = arith.constant 0 : i32
      %sign3A_1160 = arith.cmpi sgt, %jit3A_1150, %sign3A_1159 : i32
      %sign3A_1161 = arith.extui %sign3A_1160 : i1 to i32
      %sign3A_1162 = arith.constant 0 : i32
      %sign3A_1163 = arith.cmpi slt, %jit3A_1150, %sign3A_1162 : i32
      %sign3A_1164 = arith.extui %sign3A_1163 : i1 to i32
      %sign3A_1165 = arith.subi %sign3A_1161, %sign3A_1164 : i32
      %ne3A_1166 = arith.cmpi ne, %sign3A_1158, %sign3A_1165 : i32
      %rem3A_1167 = arith.remsi %add3A_1149, %jit3A_1150 : i32
      %ne3A_1168 = arith.constant 0 : i32
      %ne3A_1169 = arith.cmpi ne, %rem3A_1167, %ne3A_1168 : i32
      %and3A_1170 = arith.andi %ne3A_1166, %ne3A_1169 : i1
      %sub3A_1171 = arith.constant 1 : i32
      %sub3A_1172 = arith.subi %div3A_1151, %sub3A_1171 : i32
      %select_n3A_1173 = arith.select %and3A_1170, %sub3A_1172, %div3A_1151 : i32
      %jit3A_1174 = arith.constant 16 : i32
      %eq3A_1175 = arith.constant 0 : i32
      %eq3A_1176 = arith.cmpi eq, %jit3A_1174, %eq3A_1175 : i32
      %jit3A_1177 = arith.constant 1 : i32
      %select_n3A_1178 = arith.select %eq3A_1176, %jit3A_1177, %jit3A_1174 : i32
      %rem3A_1179 = arith.remsi %add3A_1149, %select_n3A_1178 : i32
      %ne3A_1180 = arith.constant 0 : i32
      %ne3A_1181 = arith.cmpi ne, %rem3A_1179, %ne3A_1180 : i32
      %lt3A_1182 = arith.constant 0 : i32
      %lt3A_1183 = arith.cmpi slt, %rem3A_1179, %lt3A_1182 : i32
      %lt3A_1184 = arith.constant 0 : i32
      %lt3A_1185 = arith.cmpi slt, %select_n3A_1178, %lt3A_1184 : i32
      %ne3A_1186 = arith.xori %lt3A_1183, %lt3A_1185 : i1
      %and3A_1187 = arith.andi %ne3A_1186, %ne3A_1181 : i1
      %add3A_1188 = arith.addi %rem3A_1179, %select_n3A_1178 : i32
      %select_n3A_1189 = arith.select %and3A_1187, %add3A_1188, %rem3A_1179 : i32
      %mul3A_1190 = arith.constant 32 : i32
      %mul3A_1191 = arith.muli %select_n3A_1189, %mul3A_1190 : i32
      %jit3A_1192 = arith.constant 16 : i32
      %div3A_1193 = arith.divsi %select_n3A_1173, %jit3A_1192 : i32
      %sign3A_1194 = arith.constant 0 : i32
      %sign3A_1195 = arith.cmpi sgt, %select_n3A_1173, %sign3A_1194 : i32
      %sign3A_1196 = arith.extui %sign3A_1195 : i1 to i32
      %sign3A_1197 = arith.constant 0 : i32
      %sign3A_1198 = arith.cmpi slt, %select_n3A_1173, %sign3A_1197 : i32
      %sign3A_1199 = arith.extui %sign3A_1198 : i1 to i32
      %sign3A_1200 = arith.subi %sign3A_1196, %sign3A_1199 : i32
      %sign3A_1201 = arith.constant 0 : i32
      %sign3A_1202 = arith.cmpi sgt, %jit3A_1192, %sign3A_1201 : i32
      %sign3A_1203 = arith.extui %sign3A_1202 : i1 to i32
      %sign3A_1204 = arith.constant 0 : i32
      %sign3A_1205 = arith.cmpi slt, %jit3A_1192, %sign3A_1204 : i32
      %sign3A_1206 = arith.extui %sign3A_1205 : i1 to i32
      %sign3A_1207 = arith.subi %sign3A_1203, %sign3A_1206 : i32
      %ne3A_1208 = arith.cmpi ne, %sign3A_1200, %sign3A_1207 : i32
      %rem3A_1209 = arith.remsi %select_n3A_1173, %jit3A_1192 : i32
      %ne3A_1210 = arith.constant 0 : i32
      %ne3A_1211 = arith.cmpi ne, %rem3A_1209, %ne3A_1210 : i32
      %and3A_1212 = arith.andi %ne3A_1208, %ne3A_1211 : i1
      %sub3A_1213 = arith.constant 1 : i32
      %sub3A_1214 = arith.subi %div3A_1193, %sub3A_1213 : i32
      %select_n3A_1215 = arith.select %and3A_1212, %sub3A_1214, %div3A_1193 : i32
      %jit3A_1216 = arith.constant 16 : i32
      %eq3A_1217 = arith.constant 0 : i32
      %eq3A_1218 = arith.cmpi eq, %jit3A_1216, %eq3A_1217 : i32
      %jit3A_1219 = arith.constant 1 : i32
      %select_n3A_1220 = arith.select %eq3A_1218, %jit3A_1219, %jit3A_1216 : i32
      %rem3A_1221 = arith.remsi %select_n3A_1173, %select_n3A_1220 : i32
      %ne3A_1222 = arith.constant 0 : i32
      %ne3A_1223 = arith.cmpi ne, %rem3A_1221, %ne3A_1222 : i32
      %lt3A_1224 = arith.constant 0 : i32
      %lt3A_1225 = arith.cmpi slt, %rem3A_1221, %lt3A_1224 : i32
      %lt3A_1226 = arith.constant 0 : i32
      %lt3A_1227 = arith.cmpi slt, %select_n3A_1220, %lt3A_1226 : i32
      %ne3A_1228 = arith.xori %lt3A_1225, %lt3A_1227 : i1
      %and3A_1229 = arith.andi %ne3A_1228, %ne3A_1223 : i1
      %add3A_1230 = arith.addi %rem3A_1221, %select_n3A_1220 : i32
      %select_n3A_1231 = arith.select %and3A_1229, %add3A_1230, %rem3A_1221 : i32
      %dma_start3A_1232 = arith.constant 0 : i32
      %dma_start3A_1233 = tpu.memref_slice %arg3[%select_n3A_1215, %select_n3A_1231, %mul3A_1191, %dma_start3A_1232] : memref<3x16x512x512xf32, #tpu.memory_space<hbm>> -> memref<1x1x32x512xf32, #tpu.memory_space<hbm>>
      %dma_start3A_1234 = tpu.memref_squeeze %dma_start3A_1233 : memref<1x1x32x512xf32, #tpu.memory_space<hbm>> -> memref<32x512xf32, #tpu.memory_space<hbm>>
      %dma_start3A_1235 = arith.constant 0 : i32
      %dma_start3A_1236 = tpu.memref_slice %arg3[%select_n3A_1215, %select_n3A_1231, %mul3A_1191, %dma_start3A_1235] : memref<3x16x512x512xf32, #tpu.memory_space<hbm>> -> memref<1x1x32x512xf32, #tpu.memory_space<hbm>>
      %dma_start3A_1237 = tpu.memref_squeeze %dma_start3A_1236 : memref<1x1x32x512xf32, #tpu.memory_space<hbm>> -> memref<32x512xf32, #tpu.memory_space<hbm>>
      tpu.enqueue_dma source(%arg5 : memref<32x512xf32, #tpu.memory_space<vmem>>) target(%dma_start3A_1237 : memref<32x512xf32, #tpu.memory_space<hbm>>) target_semaphore(%arg13 : memref<!tpu.dma_semaphore, #tpu.memory_space<semaphore_mem>>)
      %add3A_1238 = arith.constant 2 : i32
      %add3A_1239 = arith.addi %add3A_825, %add3A_1238 : i32
      %jit3A_1240 = arith.constant 16 : i32
      %div3A_1241 = arith.divsi %add3A_1239, %jit3A_1240 : i32
      %sign3A_1242 = arith.constant 0 : i32
      %sign3A_1243 = arith.cmpi sgt, %add3A_1239, %sign3A_1242 : i32
      %sign3A_1244 = arith.extui %sign3A_1243 : i1 to i32
      %sign3A_1245 = arith.constant 0 : i32
      %sign3A_1246 = arith.cmpi slt, %add3A_1239, %sign3A_1245 : i32
      %sign3A_1247 = arith.extui %sign3A_1246 : i1 to i32
      %sign3A_1248 = arith.subi %sign3A_1244, %sign3A_1247 : i32
      %sign3A_1249 = arith.constant 0 : i32
      %sign3A_1250 = arith.cmpi sgt, %jit3A_1240, %sign3A_1249 : i32
      %sign3A_1251 = arith.extui %sign3A_1250 : i1 to i32
      %sign3A_1252 = arith.constant 0 : i32
      %sign3A_1253 = arith.cmpi slt, %jit3A_1240, %sign3A_1252 : i32
      %sign3A_1254 = arith.extui %sign3A_1253 : i1 to i32
      %sign3A_1255 = arith.subi %sign3A_1251, %sign3A_1254 : i32
      %ne3A_1256 = arith.cmpi ne, %sign3A_1248, %sign3A_1255 : i32
      %rem3A_1257 = arith.remsi %add3A_1239, %jit3A_1240 : i32
      %ne3A_1258 = arith.constant 0 : i32
      %ne3A_1259 = arith.cmpi ne, %rem3A_1257, %ne3A_1258 : i32
      %and3A_1260 = arith.andi %ne3A_1256, %ne3A_1259 : i1
      %sub3A_1261 = arith.constant 1 : i32
      %sub3A_1262 = arith.subi %div3A_1241, %sub3A_1261 : i32
      %select_n3A_1263 = arith.select %and3A_1260, %sub3A_1262, %div3A_1241 : i32
      %jit3A_1264 = arith.constant 16 : i32
      %eq3A_1265 = arith.constant 0 : i32
      %eq3A_1266 = arith.cmpi eq, %jit3A_1264, %eq3A_1265 : i32
      %jit3A_1267 = arith.constant 1 : i32
      %select_n3A_1268 = arith.select %eq3A_1266, %jit3A_1267, %jit3A_1264 : i32
      %rem3A_1269 = arith.remsi %add3A_1239, %select_n3A_1268 : i32
      %ne3A_1270 = arith.constant 0 : i32
      %ne3A_1271 = arith.cmpi ne, %rem3A_1269, %ne3A_1270 : i32
      %lt3A_1272 = arith.constant 0 : i32
      %lt3A_1273 = arith.cmpi slt, %rem3A_1269, %lt3A_1272 : i32
      %lt3A_1274 = arith.constant 0 : i32
      %lt3A_1275 = arith.cmpi slt, %select_n3A_1268, %lt3A_1274 : i32
      %ne3A_1276 = arith.xori %lt3A_1273, %lt3A_1275 : i1
      %and3A_1277 = arith.andi %ne3A_1276, %ne3A_1271 : i1
      %add3A_1278 = arith.addi %rem3A_1269, %select_n3A_1268 : i32
      %select_n3A_1279 = arith.select %and3A_1277, %add3A_1278, %rem3A_1269 : i32
      %mul3A_1280 = arith.constant 32 : i32
      %mul3A_1281 = arith.muli %select_n3A_1279, %mul3A_1280 : i32
      %jit3A_1282 = arith.constant 16 : i32
      %div3A_1283 = arith.divsi %select_n3A_1263, %jit3A_1282 : i32
      %sign3A_1284 = arith.constant 0 : i32
      %sign3A_1285 = arith.cmpi sgt, %select_n3A_1263, %sign3A_1284 : i32
      %sign3A_1286 = arith.extui %sign3A_1285 : i1 to i32
      %sign3A_1287 = arith.constant 0 : i32
      %sign3A_1288 = arith.cmpi slt, %select_n3A_1263, %sign3A_1287 : i32
      %sign3A_1289 = arith.extui %sign3A_1288 : i1 to i32
      %sign3A_1290 = arith.subi %sign3A_1286, %sign3A_1289 : i32
      %sign3A_1291 = arith.constant 0 : i32
      %sign3A_1292 = arith.cmpi sgt, %jit3A_1282, %sign3A_1291 : i32
      %sign3A_1293 = arith.extui %sign3A_1292 : i1 to i32
      %sign3A_1294 = arith.constant 0 : i32
      %sign3A_1295 = arith.cmpi slt, %jit3A_1282, %sign3A_1294 : i32
      %sign3A_1296 = arith.extui %sign3A_1295 : i1 to i32
      %sign3A_1297 = arith.subi %sign3A_1293, %sign3A_1296 : i32
      %ne3A_1298 = arith.cmpi ne, %sign3A_1290, %sign3A_1297 : i32
      %rem3A_1299 = arith.remsi %select_n3A_1263, %jit3A_1282 : i32
      %ne3A_1300 = arith.constant 0 : i32
      %ne3A_1301 = arith.cmpi ne, %rem3A_1299, %ne3A_1300 : i32
      %and3A_1302 = arith.andi %ne3A_1298, %ne3A_1301 : i1
      %sub3A_1303 = arith.constant 1 : i32
      %sub3A_1304 = arith.subi %div3A_1283, %sub3A_1303 : i32
      %select_n3A_1305 = arith.select %and3A_1302, %sub3A_1304, %div3A_1283 : i32
      %jit3A_1306 = arith.constant 16 : i32
      %eq3A_1307 = arith.constant 0 : i32
      %eq3A_1308 = arith.cmpi eq, %jit3A_1306, %eq3A_1307 : i32
      %jit3A_1309 = arith.constant 1 : i32
      %select_n3A_1310 = arith.select %eq3A_1308, %jit3A_1309, %jit3A_1306 : i32
      %rem3A_1311 = arith.remsi %select_n3A_1263, %select_n3A_1310 : i32
      %ne3A_1312 = arith.constant 0 : i32
      %ne3A_1313 = arith.cmpi ne, %rem3A_1311, %ne3A_1312 : i32
      %lt3A_1314 = arith.constant 0 : i32
      %lt3A_1315 = arith.cmpi slt, %rem3A_1311, %lt3A_1314 : i32
      %lt3A_1316 = arith.constant 0 : i32
      %lt3A_1317 = arith.cmpi slt, %select_n3A_1310, %lt3A_1316 : i32
      %ne3A_1318 = arith.xori %lt3A_1315, %lt3A_1317 : i1
      %and3A_1319 = arith.andi %ne3A_1318, %ne3A_1313 : i1
      %add3A_1320 = arith.addi %rem3A_1311, %select_n3A_1310 : i32
      %select_n3A_1321 = arith.select %and3A_1319, %add3A_1320, %rem3A_1311 : i32
      %mul3A_1322 = arith.constant 21 : i32
      %mul3A_1323 = arith.muli %mul3A_1322, %select_n3A_1321 : i32
      %jit3A_1324 = arith.constant 5 : i32
      %div3A_1325 = arith.divsi %mul3A_1323, %jit3A_1324 : i32
      %sign3A_1326 = arith.constant 0 : i32
      %sign3A_1327 = arith.cmpi sgt, %mul3A_1323, %sign3A_1326 : i32
      %sign3A_1328 = arith.extui %sign3A_1327 : i1 to i32
      %sign3A_1329 = arith.constant 0 : i32
      %sign3A_1330 = arith.cmpi slt, %mul3A_1323, %sign3A_1329 : i32
      %sign3A_1331 = arith.extui %sign3A_1330 : i1 to i32
      %sign3A_1332 = arith.subi %sign3A_1328, %sign3A_1331 : i32
      %sign3A_1333 = arith.constant 0 : i32
      %sign3A_1334 = arith.cmpi sgt, %jit3A_1324, %sign3A_1333 : i32
      %sign3A_1335 = arith.extui %sign3A_1334 : i1 to i32
      %sign3A_1336 = arith.constant 0 : i32
      %sign3A_1337 = arith.cmpi slt, %jit3A_1324, %sign3A_1336 : i32
      %sign3A_1338 = arith.extui %sign3A_1337 : i1 to i32
      %sign3A_1339 = arith.subi %sign3A_1335, %sign3A_1338 : i32
      %ne3A_1340 = arith.cmpi ne, %sign3A_1332, %sign3A_1339 : i32
      %rem3A_1341 = arith.remsi %mul3A_1323, %jit3A_1324 : i32
      %ne3A_1342 = arith.constant 0 : i32
      %ne3A_1343 = arith.cmpi ne, %rem3A_1341, %ne3A_1342 : i32
      %and3A_1344 = arith.andi %ne3A_1340, %ne3A_1343 : i1
      %sub3A_1345 = arith.constant 1 : i32
      %sub3A_1346 = arith.subi %div3A_1325, %sub3A_1345 : i32
      %select_n3A_1347 = arith.select %and3A_1344, %sub3A_1346, %div3A_1325 : i32
      %dma_wait3A_1348 = arith.constant 0 : i32
      %dma_wait3A_1349 = tpu.memref_slice %arg2[%select_n3A_1305, %select_n3A_1347, %mul3A_1281, %dma_wait3A_1348] : memref<3x64x512x512xf32, #tpu.memory_space<hbm>> -> memref<1x1x32x512xf32, #tpu.memory_space<hbm>>
      %dma_wait3A_1350 = tpu.memref_squeeze %dma_wait3A_1349 : memref<1x1x32x512xf32, #tpu.memory_space<hbm>> -> memref<32x512xf32, #tpu.memory_space<hbm>>
      %dma_wait3A_1351 = arith.constant 0 : i32
      %dma_wait3A_1352 = tpu.memref_slice %arg2[%select_n3A_1305, %select_n3A_1347, %mul3A_1281, %dma_wait3A_1351] : memref<3x64x512x512xf32, #tpu.memory_space<hbm>> -> memref<1x1x32x512xf32, #tpu.memory_space<hbm>>
      %dma_wait3A_1353 = tpu.memref_squeeze %dma_wait3A_1352 : memref<1x1x32x512xf32, #tpu.memory_space<hbm>> -> memref<32x512xf32, #tpu.memory_space<hbm>>
      tpu.wait_dma2 semaphore(%arg10 : memref<!tpu.dma_semaphore, #tpu.memory_space<semaphore_mem>>) src(%dma_wait3A_1353 : memref<32x512xf32, #tpu.memory_space<hbm>>) dst(%arg6 : memref<32x512xf32, #tpu.memory_space<vmem>>)
      %add3A_1354 = arith.constant 2 : i32
      %add3A_1355 = arith.addi %add3A_825, %add3A_1354 : i32
      %jit3A_1356 = arith.constant 16 : i32
      %div3A_1357 = arith.divsi %add3A_1355, %jit3A_1356 : i32
      %sign3A_1358 = arith.constant 0 : i32
      %sign3A_1359 = arith.cmpi sgt, %add3A_1355, %sign3A_1358 : i32
      %sign3A_1360 = arith.extui %sign3A_1359 : i1 to i32
      %sign3A_1361 = arith.constant 0 : i32
      %sign3A_1362 = arith.cmpi slt, %add3A_1355, %sign3A_1361 : i32
      %sign3A_1363 = arith.extui %sign3A_1362 : i1 to i32
      %sign3A_1364 = arith.subi %sign3A_1360, %sign3A_1363 : i32
      %sign3A_1365 = arith.constant 0 : i32
      %sign3A_1366 = arith.cmpi sgt, %jit3A_1356, %sign3A_1365 : i32
      %sign3A_1367 = arith.extui %sign3A_1366 : i1 to i32
      %sign3A_1368 = arith.constant 0 : i32
      %sign3A_1369 = arith.cmpi slt, %jit3A_1356, %sign3A_1368 : i32
      %sign3A_1370 = arith.extui %sign3A_1369 : i1 to i32
      %sign3A_1371 = arith.subi %sign3A_1367, %sign3A_1370 : i32
      %ne3A_1372 = arith.cmpi ne, %sign3A_1364, %sign3A_1371 : i32
      %rem3A_1373 = arith.remsi %add3A_1355, %jit3A_1356 : i32
      %ne3A_1374 = arith.constant 0 : i32
      %ne3A_1375 = arith.cmpi ne, %rem3A_1373, %ne3A_1374 : i32
      %and3A_1376 = arith.andi %ne3A_1372, %ne3A_1375 : i1
      %sub3A_1377 = arith.constant 1 : i32
      %sub3A_1378 = arith.subi %div3A_1357, %sub3A_1377 : i32
      %select_n3A_1379 = arith.select %and3A_1376, %sub3A_1378, %div3A_1357 : i32
      %jit3A_1380 = arith.constant 16 : i32
      %eq3A_1381 = arith.constant 0 : i32
      %eq3A_1382 = arith.cmpi eq, %jit3A_1380, %eq3A_1381 : i32
      %jit3A_1383 = arith.constant 1 : i32
      %select_n3A_1384 = arith.select %eq3A_1382, %jit3A_1383, %jit3A_1380 : i32
      %rem3A_1385 = arith.remsi %add3A_1355, %select_n3A_1384 : i32
      %ne3A_1386 = arith.constant 0 : i32
      %ne3A_1387 = arith.cmpi ne, %rem3A_1385, %ne3A_1386 : i32
      %lt3A_1388 = arith.constant 0 : i32
      %lt3A_1389 = arith.cmpi slt, %rem3A_1385, %lt3A_1388 : i32
      %lt3A_1390 = arith.constant 0 : i32
      %lt3A_1391 = arith.cmpi slt, %select_n3A_1384, %lt3A_1390 : i32
      %ne3A_1392 = arith.xori %lt3A_1389, %lt3A_1391 : i1
      %and3A_1393 = arith.andi %ne3A_1392, %ne3A_1387 : i1
      %add3A_1394 = arith.addi %rem3A_1385, %select_n3A_1384 : i32
      %select_n3A_1395 = arith.select %and3A_1393, %add3A_1394, %rem3A_1385 : i32
      %mul3A_1396 = arith.constant 32 : i32
      %mul3A_1397 = arith.muli %select_n3A_1395, %mul3A_1396 : i32
      %jit3A_1398 = arith.constant 16 : i32
      %div3A_1399 = arith.divsi %select_n3A_1379, %jit3A_1398 : i32
      %sign3A_1400 = arith.constant 0 : i32
      %sign3A_1401 = arith.cmpi sgt, %select_n3A_1379, %sign3A_1400 : i32
      %sign3A_1402 = arith.extui %sign3A_1401 : i1 to i32
      %sign3A_1403 = arith.constant 0 : i32
      %sign3A_1404 = arith.cmpi slt, %select_n3A_1379, %sign3A_1403 : i32
      %sign3A_1405 = arith.extui %sign3A_1404 : i1 to i32
      %sign3A_1406 = arith.subi %sign3A_1402, %sign3A_1405 : i32
      %sign3A_1407 = arith.constant 0 : i32
      %sign3A_1408 = arith.cmpi sgt, %jit3A_1398, %sign3A_1407 : i32
      %sign3A_1409 = arith.extui %sign3A_1408 : i1 to i32
      %sign3A_1410 = arith.constant 0 : i32
      %sign3A_1411 = arith.cmpi slt, %jit3A_1398, %sign3A_1410 : i32
      %sign3A_1412 = arith.extui %sign3A_1411 : i1 to i32
      %sign3A_1413 = arith.subi %sign3A_1409, %sign3A_1412 : i32
      %ne3A_1414 = arith.cmpi ne, %sign3A_1406, %sign3A_1413 : i32
      %rem3A_1415 = arith.remsi %select_n3A_1379, %jit3A_1398 : i32
      %ne3A_1416 = arith.constant 0 : i32
      %ne3A_1417 = arith.cmpi ne, %rem3A_1415, %ne3A_1416 : i32
      %and3A_1418 = arith.andi %ne3A_1414, %ne3A_1417 : i1
      %sub3A_1419 = arith.constant 1 : i32
      %sub3A_1420 = arith.subi %div3A_1399, %sub3A_1419 : i32
      %select_n3A_1421 = arith.select %and3A_1418, %sub3A_1420, %div3A_1399 : i32
      %jit3A_1422 = arith.constant 16 : i32
      %eq3A_1423 = arith.constant 0 : i32
      %eq3A_1424 = arith.cmpi eq, %jit3A_1422, %eq3A_1423 : i32
      %jit3A_1425 = arith.constant 1 : i32
      %select_n3A_1426 = arith.select %eq3A_1424, %jit3A_1425, %jit3A_1422 : i32
      %rem3A_1427 = arith.remsi %select_n3A_1379, %select_n3A_1426 : i32
      %ne3A_1428 = arith.constant 0 : i32
      %ne3A_1429 = arith.cmpi ne, %rem3A_1427, %ne3A_1428 : i32
      %lt3A_1430 = arith.constant 0 : i32
      %lt3A_1431 = arith.cmpi slt, %rem3A_1427, %lt3A_1430 : i32
      %lt3A_1432 = arith.constant 0 : i32
      %lt3A_1433 = arith.cmpi slt, %select_n3A_1426, %lt3A_1432 : i32
      %ne3A_1434 = arith.xori %lt3A_1431, %lt3A_1433 : i1
      %and3A_1435 = arith.andi %ne3A_1434, %ne3A_1429 : i1
      %add3A_1436 = arith.addi %rem3A_1427, %select_n3A_1426 : i32
      %select_n3A_1437 = arith.select %and3A_1435, %add3A_1436, %rem3A_1427 : i32
      %dma_start3A_1438 = arith.constant 0 : i32
      %dma_start3A_1439 = tpu.memref_slice %arg3[%select_n3A_1421, %select_n3A_1437, %mul3A_1397, %dma_start3A_1438] : memref<3x16x512x512xf32, #tpu.memory_space<hbm>> -> memref<1x1x32x512xf32, #tpu.memory_space<hbm>>
      %dma_start3A_1440 = tpu.memref_squeeze %dma_start3A_1439 : memref<1x1x32x512xf32, #tpu.memory_space<hbm>> -> memref<32x512xf32, #tpu.memory_space<hbm>>
      %dma_start3A_1441 = arith.constant 0 : i32
      %dma_start3A_1442 = tpu.memref_slice %arg3[%select_n3A_1421, %select_n3A_1437, %mul3A_1397, %dma_start3A_1441] : memref<3x16x512x512xf32, #tpu.memory_space<hbm>> -> memref<1x1x32x512xf32, #tpu.memory_space<hbm>>
      %dma_start3A_1443 = tpu.memref_squeeze %dma_start3A_1442 : memref<1x1x32x512xf32, #tpu.memory_space<hbm>> -> memref<32x512xf32, #tpu.memory_space<hbm>>
      tpu.enqueue_dma source(%arg6 : memref<32x512xf32, #tpu.memory_space<vmem>>) target(%dma_start3A_1443 : memref<32x512xf32, #tpu.memory_space<hbm>>) target_semaphore(%arg14 : memref<!tpu.dma_semaphore, #tpu.memory_space<semaphore_mem>>)
      %add3A_1444 = arith.constant 3 : i32
      %add3A_1445 = arith.addi %add3A_825, %add3A_1444 : i32
      %jit3A_1446 = arith.constant 16 : i32
      %div3A_1447 = arith.divsi %add3A_1445, %jit3A_1446 : i32
      %sign3A_1448 = arith.constant 0 : i32
      %sign3A_1449 = arith.cmpi sgt, %add3A_1445, %sign3A_1448 : i32
      %sign3A_1450 = arith.extui %sign3A_1449 : i1 to i32
      %sign3A_1451 = arith.constant 0 : i32
      %sign3A_1452 = arith.cmpi slt, %add3A_1445, %sign3A_1451 : i32
      %sign3A_1453 = arith.extui %sign3A_1452 : i1 to i32
      %sign3A_1454 = arith.subi %sign3A_1450, %sign3A_1453 : i32
      %sign3A_1455 = arith.constant 0 : i32
      %sign3A_1456 = arith.cmpi sgt, %jit3A_1446, %sign3A_1455 : i32
      %sign3A_1457 = arith.extui %sign3A_1456 : i1 to i32
      %sign3A_1458 = arith.constant 0 : i32
      %sign3A_1459 = arith.cmpi slt, %jit3A_1446, %sign3A_1458 : i32
      %sign3A_1460 = arith.extui %sign3A_1459 : i1 to i32
      %sign3A_1461 = arith.subi %sign3A_1457, %sign3A_1460 : i32
      %ne3A_1462 = arith.cmpi ne, %sign3A_1454, %sign3A_1461 : i32
      %rem3A_1463 = arith.remsi %add3A_1445, %jit3A_1446 : i32
      %ne3A_1464 = arith.constant 0 : i32
      %ne3A_1465 = arith.cmpi ne, %rem3A_1463, %ne3A_1464 : i32
      %and3A_1466 = arith.andi %ne3A_1462, %ne3A_1465 : i1
      %sub3A_1467 = arith.constant 1 : i32
      %sub3A_1468 = arith.subi %div3A_1447, %sub3A_1467 : i32
      %select_n3A_1469 = arith.select %and3A_1466, %sub3A_1468, %div3A_1447 : i32
      %jit3A_1470 = arith.constant 16 : i32
      %eq3A_1471 = arith.constant 0 : i32
      %eq3A_1472 = arith.cmpi eq, %jit3A_1470, %eq3A_1471 : i32
      %jit3A_1473 = arith.constant 1 : i32
      %select_n3A_1474 = arith.select %eq3A_1472, %jit3A_1473, %jit3A_1470 : i32
      %rem3A_1475 = arith.remsi %add3A_1445, %select_n3A_1474 : i32
      %ne3A_1476 = arith.constant 0 : i32
      %ne3A_1477 = arith.cmpi ne, %rem3A_1475, %ne3A_1476 : i32
      %lt3A_1478 = arith.constant 0 : i32
      %lt3A_1479 = arith.cmpi slt, %rem3A_1475, %lt3A_1478 : i32
      %lt3A_1480 = arith.constant 0 : i32
      %lt3A_1481 = arith.cmpi slt, %select_n3A_1474, %lt3A_1480 : i32
      %ne3A_1482 = arith.xori %lt3A_1479, %lt3A_1481 : i1
      %and3A_1483 = arith.andi %ne3A_1482, %ne3A_1477 : i1
      %add3A_1484 = arith.addi %rem3A_1475, %select_n3A_1474 : i32
      %select_n3A_1485 = arith.select %and3A_1483, %add3A_1484, %rem3A_1475 : i32
      %mul3A_1486 = arith.constant 32 : i32
      %mul3A_1487 = arith.muli %select_n3A_1485, %mul3A_1486 : i32
      %jit3A_1488 = arith.constant 16 : i32
      %div3A_1489 = arith.divsi %select_n3A_1469, %jit3A_1488 : i32
      %sign3A_1490 = arith.constant 0 : i32
      %sign3A_1491 = arith.cmpi sgt, %select_n3A_1469, %sign3A_1490 : i32
      %sign3A_1492 = arith.extui %sign3A_1491 : i1 to i32
      %sign3A_1493 = arith.constant 0 : i32
      %sign3A_1494 = arith.cmpi slt, %select_n3A_1469, %sign3A_1493 : i32
      %sign3A_1495 = arith.extui %sign3A_1494 : i1 to i32
      %sign3A_1496 = arith.subi %sign3A_1492, %sign3A_1495 : i32
      %sign3A_1497 = arith.constant 0 : i32
      %sign3A_1498 = arith.cmpi sgt, %jit3A_1488, %sign3A_1497 : i32
      %sign3A_1499 = arith.extui %sign3A_1498 : i1 to i32
      %sign3A_1500 = arith.constant 0 : i32
      %sign3A_1501 = arith.cmpi slt, %jit3A_1488, %sign3A_1500 : i32
      %sign3A_1502 = arith.extui %sign3A_1501 : i1 to i32
      %sign3A_1503 = arith.subi %sign3A_1499, %sign3A_1502 : i32
      %ne3A_1504 = arith.cmpi ne, %sign3A_1496, %sign3A_1503 : i32
      %rem3A_1505 = arith.remsi %select_n3A_1469, %jit3A_1488 : i32
      %ne3A_1506 = arith.constant 0 : i32
      %ne3A_1507 = arith.cmpi ne, %rem3A_1505, %ne3A_1506 : i32
      %and3A_1508 = arith.andi %ne3A_1504, %ne3A_1507 : i1
      %sub3A_1509 = arith.constant 1 : i32
      %sub3A_1510 = arith.subi %div3A_1489, %sub3A_1509 : i32
      %select_n3A_1511 = arith.select %and3A_1508, %sub3A_1510, %div3A_1489 : i32
      %jit3A_1512 = arith.constant 16 : i32
      %eq3A_1513 = arith.constant 0 : i32
      %eq3A_1514 = arith.cmpi eq, %jit3A_1512, %eq3A_1513 : i32
      %jit3A_1515 = arith.constant 1 : i32
      %select_n3A_1516 = arith.select %eq3A_1514, %jit3A_1515, %jit3A_1512 : i32
      %rem3A_1517 = arith.remsi %select_n3A_1469, %select_n3A_1516 : i32
      %ne3A_1518 = arith.constant 0 : i32
      %ne3A_1519 = arith.cmpi ne, %rem3A_1517, %ne3A_1518 : i32
      %lt3A_1520 = arith.constant 0 : i32
      %lt3A_1521 = arith.cmpi slt, %rem3A_1517, %lt3A_1520 : i32
      %lt3A_1522 = arith.constant 0 : i32
      %lt3A_1523 = arith.cmpi slt, %select_n3A_1516, %lt3A_1522 : i32
      %ne3A_1524 = arith.xori %lt3A_1521, %lt3A_1523 : i1
      %and3A_1525 = arith.andi %ne3A_1524, %ne3A_1519 : i1
      %add3A_1526 = arith.addi %rem3A_1517, %select_n3A_1516 : i32
      %select_n3A_1527 = arith.select %and3A_1525, %add3A_1526, %rem3A_1517 : i32
      %mul3A_1528 = arith.constant 21 : i32
      %mul3A_1529 = arith.muli %mul3A_1528, %select_n3A_1527 : i32
      %jit3A_1530 = arith.constant 5 : i32
      %div3A_1531 = arith.divsi %mul3A_1529, %jit3A_1530 : i32
      %sign3A_1532 = arith.constant 0 : i32
      %sign3A_1533 = arith.cmpi sgt, %mul3A_1529, %sign3A_1532 : i32
      %sign3A_1534 = arith.extui %sign3A_1533 : i1 to i32
      %sign3A_1535 = arith.constant 0 : i32
      %sign3A_1536 = arith.cmpi slt, %mul3A_1529, %sign3A_1535 : i32
      %sign3A_1537 = arith.extui %sign3A_1536 : i1 to i32
      %sign3A_1538 = arith.subi %sign3A_1534, %sign3A_1537 : i32
      %sign3A_1539 = arith.constant 0 : i32
      %sign3A_1540 = arith.cmpi sgt, %jit3A_1530, %sign3A_1539 : i32
      %sign3A_1541 = arith.extui %sign3A_1540 : i1 to i32
      %sign3A_1542 = arith.constant 0 : i32
      %sign3A_1543 = arith.cmpi slt, %jit3A_1530, %sign3A_1542 : i32
      %sign3A_1544 = arith.extui %sign3A_1543 : i1 to i32
      %sign3A_1545 = arith.subi %sign3A_1541, %sign3A_1544 : i32
      %ne3A_1546 = arith.cmpi ne, %sign3A_1538, %sign3A_1545 : i32
      %rem3A_1547 = arith.remsi %mul3A_1529, %jit3A_1530 : i32
      %ne3A_1548 = arith.constant 0 : i32
      %ne3A_1549 = arith.cmpi ne, %rem3A_1547, %ne3A_1548 : i32
      %and3A_1550 = arith.andi %ne3A_1546, %ne3A_1549 : i1
      %sub3A_1551 = arith.constant 1 : i32
      %sub3A_1552 = arith.subi %div3A_1531, %sub3A_1551 : i32
      %select_n3A_1553 = arith.select %and3A_1550, %sub3A_1552, %div3A_1531 : i32
      %dma_wait3A_1554 = arith.constant 0 : i32
      %dma_wait3A_1555 = tpu.memref_slice %arg2[%select_n3A_1511, %select_n3A_1553, %mul3A_1487, %dma_wait3A_1554] : memref<3x64x512x512xf32, #tpu.memory_space<hbm>> -> memref<1x1x32x512xf32, #tpu.memory_space<hbm>>
      %dma_wait3A_1556 = tpu.memref_squeeze %dma_wait3A_1555 : memref<1x1x32x512xf32, #tpu.memory_space<hbm>> -> memref<32x512xf32, #tpu.memory_space<hbm>>
      %dma_wait3A_1557 = arith.constant 0 : i32
      %dma_wait3A_1558 = tpu.memref_slice %arg2[%select_n3A_1511, %select_n3A_1553, %mul3A_1487, %dma_wait3A_1557] : memref<3x64x512x512xf32, #tpu.memory_space<hbm>> -> memref<1x1x32x512xf32, #tpu.memory_space<hbm>>
      %dma_wait3A_1559 = tpu.memref_squeeze %dma_wait3A_1558 : memref<1x1x32x512xf32, #tpu.memory_space<hbm>> -> memref<32x512xf32, #tpu.memory_space<hbm>>
      tpu.wait_dma2 semaphore(%arg11 : memref<!tpu.dma_semaphore, #tpu.memory_space<semaphore_mem>>) src(%dma_wait3A_1559 : memref<32x512xf32, #tpu.memory_space<hbm>>) dst(%arg7 : memref<32x512xf32, #tpu.memory_space<vmem>>)
      %add3A_1560 = arith.constant 3 : i32
      %add3A_1561 = arith.addi %add3A_825, %add3A_1560 : i32
      %jit3A_1562 = arith.constant 16 : i32
      %div3A_1563 = arith.divsi %add3A_1561, %jit3A_1562 : i32
      %sign3A_1564 = arith.constant 0 : i32
      %sign3A_1565 = arith.cmpi sgt, %add3A_1561, %sign3A_1564 : i32
      %sign3A_1566 = arith.extui %sign3A_1565 : i1 to i32
      %sign3A_1567 = arith.constant 0 : i32
      %sign3A_1568 = arith.cmpi slt, %add3A_1561, %sign3A_1567 : i32
      %sign3A_1569 = arith.extui %sign3A_1568 : i1 to i32
      %sign3A_1570 = arith.subi %sign3A_1566, %sign3A_1569 : i32
      %sign3A_1571 = arith.constant 0 : i32
      %sign3A_1572 = arith.cmpi sgt, %jit3A_1562, %sign3A_1571 : i32
      %sign3A_1573 = arith.extui %sign3A_1572 : i1 to i32
      %sign3A_1574 = arith.constant 0 : i32
      %sign3A_1575 = arith.cmpi slt, %jit3A_1562, %sign3A_1574 : i32
      %sign3A_1576 = arith.extui %sign3A_1575 : i1 to i32
      %sign3A_1577 = arith.subi %sign3A_1573, %sign3A_1576 : i32
      %ne3A_1578 = arith.cmpi ne, %sign3A_1570, %sign3A_1577 : i32
      %rem3A_1579 = arith.remsi %add3A_1561, %jit3A_1562 : i32
      %ne3A_1580 = arith.constant 0 : i32
      %ne3A_1581 = arith.cmpi ne, %rem3A_1579, %ne3A_1580 : i32
      %and3A_1582 = arith.andi %ne3A_1578, %ne3A_1581 : i1
      %sub3A_1583 = arith.constant 1 : i32
      %sub3A_1584 = arith.subi %div3A_1563, %sub3A_1583 : i32
      %select_n3A_1585 = arith.select %and3A_1582, %sub3A_1584, %div3A_1563 : i32
      %jit3A_1586 = arith.constant 16 : i32
      %eq3A_1587 = arith.constant 0 : i32
      %eq3A_1588 = arith.cmpi eq, %jit3A_1586, %eq3A_1587 : i32
      %jit3A_1589 = arith.constant 1 : i32
      %select_n3A_1590 = arith.select %eq3A_1588, %jit3A_1589, %jit3A_1586 : i32
      %rem3A_1591 = arith.remsi %add3A_1561, %select_n3A_1590 : i32
      %ne3A_1592 = arith.constant 0 : i32
      %ne3A_1593 = arith.cmpi ne, %rem3A_1591, %ne3A_1592 : i32
      %lt3A_1594 = arith.constant 0 : i32
      %lt3A_1595 = arith.cmpi slt, %rem3A_1591, %lt3A_1594 : i32
      %lt3A_1596 = arith.constant 0 : i32
      %lt3A_1597 = arith.cmpi slt, %select_n3A_1590, %lt3A_1596 : i32
      %ne3A_1598 = arith.xori %lt3A_1595, %lt3A_1597 : i1
      %and3A_1599 = arith.andi %ne3A_1598, %ne3A_1593 : i1
      %add3A_1600 = arith.addi %rem3A_1591, %select_n3A_1590 : i32
      %select_n3A_1601 = arith.select %and3A_1599, %add3A_1600, %rem3A_1591 : i32
      %mul3A_1602 = arith.constant 32 : i32
      %mul3A_1603 = arith.muli %select_n3A_1601, %mul3A_1602 : i32
      %jit3A_1604 = arith.constant 16 : i32
      %div3A_1605 = arith.divsi %select_n3A_1585, %jit3A_1604 : i32
      %sign3A_1606 = arith.constant 0 : i32
      %sign3A_1607 = arith.cmpi sgt, %select_n3A_1585, %sign3A_1606 : i32
      %sign3A_1608 = arith.extui %sign3A_1607 : i1 to i32
      %sign3A_1609 = arith.constant 0 : i32
      %sign3A_1610 = arith.cmpi slt, %select_n3A_1585, %sign3A_1609 : i32
      %sign3A_1611 = arith.extui %sign3A_1610 : i1 to i32
      %sign3A_1612 = arith.subi %sign3A_1608, %sign3A_1611 : i32
      %sign3A_1613 = arith.constant 0 : i32
      %sign3A_1614 = arith.cmpi sgt, %jit3A_1604, %sign3A_1613 : i32
      %sign3A_1615 = arith.extui %sign3A_1614 : i1 to i32
      %sign3A_1616 = arith.constant 0 : i32
      %sign3A_1617 = arith.cmpi slt, %jit3A_1604, %sign3A_1616 : i32
      %sign3A_1618 = arith.extui %sign3A_1617 : i1 to i32
      %sign3A_1619 = arith.subi %sign3A_1615, %sign3A_1618 : i32
      %ne3A_1620 = arith.cmpi ne, %sign3A_1612, %sign3A_1619 : i32
      %rem3A_1621 = arith.remsi %select_n3A_1585, %jit3A_1604 : i32
      %ne3A_1622 = arith.constant 0 : i32
      %ne3A_1623 = arith.cmpi ne, %rem3A_1621, %ne3A_1622 : i32
      %and3A_1624 = arith.andi %ne3A_1620, %ne3A_1623 : i1
      %sub3A_1625 = arith.constant 1 : i32
      %sub3A_1626 = arith.subi %div3A_1605, %sub3A_1625 : i32
      %select_n3A_1627 = arith.select %and3A_1624, %sub3A_1626, %div3A_1605 : i32
      %jit3A_1628 = arith.constant 16 : i32
      %eq3A_1629 = arith.constant 0 : i32
      %eq3A_1630 = arith.cmpi eq, %jit3A_1628, %eq3A_1629 : i32
      %jit3A_1631 = arith.constant 1 : i32
      %select_n3A_1632 = arith.select %eq3A_1630, %jit3A_1631, %jit3A_1628 : i32
      %rem3A_1633 = arith.remsi %select_n3A_1585, %select_n3A_1632 : i32
      %ne3A_1634 = arith.constant 0 : i32
      %ne3A_1635 = arith.cmpi ne, %rem3A_1633, %ne3A_1634 : i32
      %lt3A_1636 = arith.constant 0 : i32
      %lt3A_1637 = arith.cmpi slt, %rem3A_1633, %lt3A_1636 : i32
      %lt3A_1638 = arith.constant 0 : i32
      %lt3A_1639 = arith.cmpi slt, %select_n3A_1632, %lt3A_1638 : i32
      %ne3A_1640 = arith.xori %lt3A_1637, %lt3A_1639 : i1
      %and3A_1641 = arith.andi %ne3A_1640, %ne3A_1635 : i1
      %add3A_1642 = arith.addi %rem3A_1633, %select_n3A_1632 : i32
      %select_n3A_1643 = arith.select %and3A_1641, %add3A_1642, %rem3A_1633 : i32
      %dma_start3A_1644 = arith.constant 0 : i32
      %dma_start3A_1645 = tpu.memref_slice %arg3[%select_n3A_1627, %select_n3A_1643, %mul3A_1603, %dma_start3A_1644] : memref<3x16x512x512xf32, #tpu.memory_space<hbm>> -> memref<1x1x32x512xf32, #tpu.memory_space<hbm>>
      %dma_start3A_1646 = tpu.memref_squeeze %dma_start3A_1645 : memref<1x1x32x512xf32, #tpu.memory_space<hbm>> -> memref<32x512xf32, #tpu.memory_space<hbm>>
      %dma_start3A_1647 = arith.constant 0 : i32
      %dma_start3A_1648 = tpu.memref_slice %arg3[%select_n3A_1627, %select_n3A_1643, %mul3A_1603, %dma_start3A_1647] : memref<3x16x512x512xf32, #tpu.memory_space<hbm>> -> memref<1x1x32x512xf32, #tpu.memory_space<hbm>>
      %dma_start3A_1649 = tpu.memref_squeeze %dma_start3A_1648 : memref<1x1x32x512xf32, #tpu.memory_space<hbm>> -> memref<32x512xf32, #tpu.memory_space<hbm>>
      tpu.enqueue_dma source(%arg7 : memref<32x512xf32, #tpu.memory_space<vmem>>) target(%dma_start3A_1649 : memref<32x512xf32, #tpu.memory_space<hbm>>) target_semaphore(%arg15 : memref<!tpu.dma_semaphore, #tpu.memory_space<semaphore_mem>>)
      %lt3A_1650 = arith.constant 5 : i32
      %lt3A_1651 = arith.cmpi slt, %scan3A_822, %lt3A_1650 : i32
      %convert_element_type3A = arith.extui %lt3A_1651 : i1 to i32
      %cond3A = arith.constant 0 : i32
      %cond3A_1652 = arith.cmpi ne, %convert_element_type3A, %cond3A : i32
      scf.if %cond3A_1652 {
        %add3A_1653 = arith.constant 0 : i32
        %add3A_1654 = arith.addi %add3A_825, %add3A_1653 : i32
        %jit3A_1655 = arith.constant 16 : i32
        %div3A_1656 = arith.divsi %add3A_1654, %jit3A_1655 : i32
        %sign3A_1657 = arith.constant 0 : i32
        %sign3A_1658 = arith.cmpi sgt, %add3A_1654, %sign3A_1657 : i32
        %sign3A_1659 = arith.extui %sign3A_1658 : i1 to i32
        %sign3A_1660 = arith.constant 0 : i32
        %sign3A_1661 = arith.cmpi slt, %add3A_1654, %sign3A_1660 : i32
        %sign3A_1662 = arith.extui %sign3A_1661 : i1 to i32
        %sign3A_1663 = arith.subi %sign3A_1659, %sign3A_1662 : i32
        %sign3A_1664 = arith.constant 0 : i32
        %sign3A_1665 = arith.cmpi sgt, %jit3A_1655, %sign3A_1664 : i32
        %sign3A_1666 = arith.extui %sign3A_1665 : i1 to i32
        %sign3A_1667 = arith.constant 0 : i32
        %sign3A_1668 = arith.cmpi slt, %jit3A_1655, %sign3A_1667 : i32
        %sign3A_1669 = arith.extui %sign3A_1668 : i1 to i32
        %sign3A_1670 = arith.subi %sign3A_1666, %sign3A_1669 : i32
        %ne3A_1671 = arith.cmpi ne, %sign3A_1663, %sign3A_1670 : i32
        %rem3A_1672 = arith.remsi %add3A_1654, %jit3A_1655 : i32
        %ne3A_1673 = arith.constant 0 : i32
        %ne3A_1674 = arith.cmpi ne, %rem3A_1672, %ne3A_1673 : i32
        %and3A_1675 = arith.andi %ne3A_1671, %ne3A_1674 : i1
        %sub3A_1676 = arith.constant 1 : i32
        %sub3A_1677 = arith.subi %div3A_1656, %sub3A_1676 : i32
        %select_n3A_1678 = arith.select %and3A_1675, %sub3A_1677, %div3A_1656 : i32
        %jit3A_1679 = arith.constant 16 : i32
        %eq3A_1680 = arith.constant 0 : i32
        %eq3A_1681 = arith.cmpi eq, %jit3A_1679, %eq3A_1680 : i32
        %jit3A_1682 = arith.constant 1 : i32
        %select_n3A_1683 = arith.select %eq3A_1681, %jit3A_1682, %jit3A_1679 : i32
        %rem3A_1684 = arith.remsi %add3A_1654, %select_n3A_1683 : i32
        %ne3A_1685 = arith.constant 0 : i32
        %ne3A_1686 = arith.cmpi ne, %rem3A_1684, %ne3A_1685 : i32
        %lt3A_1687 = arith.constant 0 : i32
        %lt3A_1688 = arith.cmpi slt, %rem3A_1684, %lt3A_1687 : i32
        %lt3A_1689 = arith.constant 0 : i32
        %lt3A_1690 = arith.cmpi slt, %select_n3A_1683, %lt3A_1689 : i32
        %ne3A_1691 = arith.xori %lt3A_1688, %lt3A_1690 : i1
        %and3A_1692 = arith.andi %ne3A_1691, %ne3A_1686 : i1
        %add3A_1693 = arith.addi %rem3A_1684, %select_n3A_1683 : i32
        %select_n3A_1694 = arith.select %and3A_1692, %add3A_1693, %rem3A_1684 : i32
        %mul3A_1695 = arith.constant 32 : i32
        %mul3A_1696 = arith.muli %select_n3A_1694, %mul3A_1695 : i32
        %jit3A_1697 = arith.constant 16 : i32
        %div3A_1698 = arith.divsi %select_n3A_1678, %jit3A_1697 : i32
        %sign3A_1699 = arith.constant 0 : i32
        %sign3A_1700 = arith.cmpi sgt, %select_n3A_1678, %sign3A_1699 : i32
        %sign3A_1701 = arith.extui %sign3A_1700 : i1 to i32
        %sign3A_1702 = arith.constant 0 : i32
        %sign3A_1703 = arith.cmpi slt, %select_n3A_1678, %sign3A_1702 : i32
        %sign3A_1704 = arith.extui %sign3A_1703 : i1 to i32
        %sign3A_1705 = arith.subi %sign3A_1701, %sign3A_1704 : i32
        %sign3A_1706 = arith.constant 0 : i32
        %sign3A_1707 = arith.cmpi sgt, %jit3A_1697, %sign3A_1706 : i32
        %sign3A_1708 = arith.extui %sign3A_1707 : i1 to i32
        %sign3A_1709 = arith.constant 0 : i32
        %sign3A_1710 = arith.cmpi slt, %jit3A_1697, %sign3A_1709 : i32
        %sign3A_1711 = arith.extui %sign3A_1710 : i1 to i32
        %sign3A_1712 = arith.subi %sign3A_1708, %sign3A_1711 : i32
        %ne3A_1713 = arith.cmpi ne, %sign3A_1705, %sign3A_1712 : i32
        %rem3A_1714 = arith.remsi %select_n3A_1678, %jit3A_1697 : i32
        %ne3A_1715 = arith.constant 0 : i32
        %ne3A_1716 = arith.cmpi ne, %rem3A_1714, %ne3A_1715 : i32
        %and3A_1717 = arith.andi %ne3A_1713, %ne3A_1716 : i1
        %sub3A_1718 = arith.constant 1 : i32
        %sub3A_1719 = arith.subi %div3A_1698, %sub3A_1718 : i32
        %select_n3A_1720 = arith.select %and3A_1717, %sub3A_1719, %div3A_1698 : i32
        %jit3A_1721 = arith.constant 16 : i32
        %eq3A_1722 = arith.constant 0 : i32
        %eq3A_1723 = arith.cmpi eq, %jit3A_1721, %eq3A_1722 : i32
        %jit3A_1724 = arith.constant 1 : i32
        %select_n3A_1725 = arith.select %eq3A_1723, %jit3A_1724, %jit3A_1721 : i32
        %rem3A_1726 = arith.remsi %select_n3A_1678, %select_n3A_1725 : i32
        %ne3A_1727 = arith.constant 0 : i32
        %ne3A_1728 = arith.cmpi ne, %rem3A_1726, %ne3A_1727 : i32
        %lt3A_1729 = arith.constant 0 : i32
        %lt3A_1730 = arith.cmpi slt, %rem3A_1726, %lt3A_1729 : i32
        %lt3A_1731 = arith.constant 0 : i32
        %lt3A_1732 = arith.cmpi slt, %select_n3A_1725, %lt3A_1731 : i32
        %ne3A_1733 = arith.xori %lt3A_1730, %lt3A_1732 : i1
        %and3A_1734 = arith.andi %ne3A_1733, %ne3A_1728 : i1
        %add3A_1735 = arith.addi %rem3A_1726, %select_n3A_1725 : i32
        %select_n3A_1736 = arith.select %and3A_1734, %add3A_1735, %rem3A_1726 : i32
        %dma_wait3A_1737 = arith.constant 0 : i32
        %dma_wait3A_1738 = tpu.memref_slice %arg3[%select_n3A_1720, %select_n3A_1736, %mul3A_1696, %dma_wait3A_1737] : memref<3x16x512x512xf32, #tpu.memory_space<hbm>> -> memref<1x1x32x512xf32, #tpu.memory_space<hbm>>
        %dma_wait3A_1739 = tpu.memref_squeeze %dma_wait3A_1738 : memref<1x1x32x512xf32, #tpu.memory_space<hbm>> -> memref<32x512xf32, #tpu.memory_space<hbm>>
        %dma_wait3A_1740 = arith.constant 0 : i32
        %dma_wait3A_1741 = tpu.memref_slice %arg3[%select_n3A_1720, %select_n3A_1736, %mul3A_1696, %dma_wait3A_1740] : memref<3x16x512x512xf32, #tpu.memory_space<hbm>> -> memref<1x1x32x512xf32, #tpu.memory_space<hbm>>
        %dma_wait3A_1742 = tpu.memref_squeeze %dma_wait3A_1741 : memref<1x1x32x512xf32, #tpu.memory_space<hbm>> -> memref<32x512xf32, #tpu.memory_space<hbm>>
        tpu.wait_dma2 semaphore(%arg12 : memref<!tpu.dma_semaphore, #tpu.memory_space<semaphore_mem>>) src(%arg4 : memref<32x512xf32, #tpu.memory_space<vmem>>) dst(%dma_wait3A_1742 : memref<32x512xf32, #tpu.memory_space<hbm>>)
        %add3A_1743 = arith.constant 4 : i32
        %add3A_1744 = arith.addi %add3A_825, %add3A_1743 : i32
        %add3A_1745 = arith.constant 0 : i32
        %add3A_1746 = arith.addi %add3A_1744, %add3A_1745 : i32
        %jit3A_1747 = arith.constant 16 : i32
        %div3A_1748 = arith.divsi %add3A_1746, %jit3A_1747 : i32
        %sign3A_1749 = arith.constant 0 : i32
        %sign3A_1750 = arith.cmpi sgt, %add3A_1746, %sign3A_1749 : i32
        %sign3A_1751 = arith.extui %sign3A_1750 : i1 to i32
        %sign3A_1752 = arith.constant 0 : i32
        %sign3A_1753 = arith.cmpi slt, %add3A_1746, %sign3A_1752 : i32
        %sign3A_1754 = arith.extui %sign3A_1753 : i1 to i32
        %sign3A_1755 = arith.subi %sign3A_1751, %sign3A_1754 : i32
        %sign3A_1756 = arith.constant 0 : i32
        %sign3A_1757 = arith.cmpi sgt, %jit3A_1747, %sign3A_1756 : i32
        %sign3A_1758 = arith.extui %sign3A_1757 : i1 to i32
        %sign3A_1759 = arith.constant 0 : i32
        %sign3A_1760 = arith.cmpi slt, %jit3A_1747, %sign3A_1759 : i32
        %sign3A_1761 = arith.extui %sign3A_1760 : i1 to i32
        %sign3A_1762 = arith.subi %sign3A_1758, %sign3A_1761 : i32
        %ne3A_1763 = arith.cmpi ne, %sign3A_1755, %sign3A_1762 : i32
        %rem3A_1764 = arith.remsi %add3A_1746, %jit3A_1747 : i32
        %ne3A_1765 = arith.constant 0 : i32
        %ne3A_1766 = arith.cmpi ne, %rem3A_1764, %ne3A_1765 : i32
        %and3A_1767 = arith.andi %ne3A_1763, %ne3A_1766 : i1
        %sub3A_1768 = arith.constant 1 : i32
        %sub3A_1769 = arith.subi %div3A_1748, %sub3A_1768 : i32
        %select_n3A_1770 = arith.select %and3A_1767, %sub3A_1769, %div3A_1748 : i32
        %jit3A_1771 = arith.constant 16 : i32
        %eq3A_1772 = arith.constant 0 : i32
        %eq3A_1773 = arith.cmpi eq, %jit3A_1771, %eq3A_1772 : i32
        %jit3A_1774 = arith.constant 1 : i32
        %select_n3A_1775 = arith.select %eq3A_1773, %jit3A_1774, %jit3A_1771 : i32
        %rem3A_1776 = arith.remsi %add3A_1746, %select_n3A_1775 : i32
        %ne3A_1777 = arith.constant 0 : i32
        %ne3A_1778 = arith.cmpi ne, %rem3A_1776, %ne3A_1777 : i32
        %lt3A_1779 = arith.constant 0 : i32
        %lt3A_1780 = arith.cmpi slt, %rem3A_1776, %lt3A_1779 : i32
        %lt3A_1781 = arith.constant 0 : i32
        %lt3A_1782 = arith.cmpi slt, %select_n3A_1775, %lt3A_1781 : i32
        %ne3A_1783 = arith.xori %lt3A_1780, %lt3A_1782 : i1
        %and3A_1784 = arith.andi %ne3A_1783, %ne3A_1778 : i1
        %add3A_1785 = arith.addi %rem3A_1776, %select_n3A_1775 : i32
        %select_n3A_1786 = arith.select %and3A_1784, %add3A_1785, %rem3A_1776 : i32
        %mul3A_1787 = arith.constant 32 : i32
        %mul3A_1788 = arith.muli %select_n3A_1786, %mul3A_1787 : i32
        %jit3A_1789 = arith.constant 16 : i32
        %div3A_1790 = arith.divsi %select_n3A_1770, %jit3A_1789 : i32
        %sign3A_1791 = arith.constant 0 : i32
        %sign3A_1792 = arith.cmpi sgt, %select_n3A_1770, %sign3A_1791 : i32
        %sign3A_1793 = arith.extui %sign3A_1792 : i1 to i32
        %sign3A_1794 = arith.constant 0 : i32
        %sign3A_1795 = arith.cmpi slt, %select_n3A_1770, %sign3A_1794 : i32
        %sign3A_1796 = arith.extui %sign3A_1795 : i1 to i32
        %sign3A_1797 = arith.subi %sign3A_1793, %sign3A_1796 : i32
        %sign3A_1798 = arith.constant 0 : i32
        %sign3A_1799 = arith.cmpi sgt, %jit3A_1789, %sign3A_1798 : i32
        %sign3A_1800 = arith.extui %sign3A_1799 : i1 to i32
        %sign3A_1801 = arith.constant 0 : i32
        %sign3A_1802 = arith.cmpi slt, %jit3A_1789, %sign3A_1801 : i32
        %sign3A_1803 = arith.extui %sign3A_1802 : i1 to i32
        %sign3A_1804 = arith.subi %sign3A_1800, %sign3A_1803 : i32
        %ne3A_1805 = arith.cmpi ne, %sign3A_1797, %sign3A_1804 : i32
        %rem3A_1806 = arith.remsi %select_n3A_1770, %jit3A_1789 : i32
        %ne3A_1807 = arith.constant 0 : i32
        %ne3A_1808 = arith.cmpi ne, %rem3A_1806, %ne3A_1807 : i32
        %and3A_1809 = arith.andi %ne3A_1805, %ne3A_1808 : i1
        %sub3A_1810 = arith.constant 1 : i32
        %sub3A_1811 = arith.subi %div3A_1790, %sub3A_1810 : i32
        %select_n3A_1812 = arith.select %and3A_1809, %sub3A_1811, %div3A_1790 : i32
        %jit3A_1813 = arith.constant 16 : i32
        %eq3A_1814 = arith.constant 0 : i32
        %eq3A_1815 = arith.cmpi eq, %jit3A_1813, %eq3A_1814 : i32
        %jit3A_1816 = arith.constant 1 : i32
        %select_n3A_1817 = arith.select %eq3A_1815, %jit3A_1816, %jit3A_1813 : i32
        %rem3A_1818 = arith.remsi %select_n3A_1770, %select_n3A_1817 : i32
        %ne3A_1819 = arith.constant 0 : i32
        %ne3A_1820 = arith.cmpi ne, %rem3A_1818, %ne3A_1819 : i32
        %lt3A_1821 = arith.constant 0 : i32
        %lt3A_1822 = arith.cmpi slt, %rem3A_1818, %lt3A_1821 : i32
        %lt3A_1823 = arith.constant 0 : i32
        %lt3A_1824 = arith.cmpi slt, %select_n3A_1817, %lt3A_1823 : i32
        %ne3A_1825 = arith.xori %lt3A_1822, %lt3A_1824 : i1
        %and3A_1826 = arith.andi %ne3A_1825, %ne3A_1820 : i1
        %add3A_1827 = arith.addi %rem3A_1818, %select_n3A_1817 : i32
        %select_n3A_1828 = arith.select %and3A_1826, %add3A_1827, %rem3A_1818 : i32
        %mul3A_1829 = arith.constant 21 : i32
        %mul3A_1830 = arith.muli %mul3A_1829, %select_n3A_1828 : i32
        %jit3A_1831 = arith.constant 5 : i32
        %div3A_1832 = arith.divsi %mul3A_1830, %jit3A_1831 : i32
        %sign3A_1833 = arith.constant 0 : i32
        %sign3A_1834 = arith.cmpi sgt, %mul3A_1830, %sign3A_1833 : i32
        %sign3A_1835 = arith.extui %sign3A_1834 : i1 to i32
        %sign3A_1836 = arith.constant 0 : i32
        %sign3A_1837 = arith.cmpi slt, %mul3A_1830, %sign3A_1836 : i32
        %sign3A_1838 = arith.extui %sign3A_1837 : i1 to i32
        %sign3A_1839 = arith.subi %sign3A_1835, %sign3A_1838 : i32
        %sign3A_1840 = arith.constant 0 : i32
        %sign3A_1841 = arith.cmpi sgt, %jit3A_1831, %sign3A_1840 : i32
        %sign3A_1842 = arith.extui %sign3A_1841 : i1 to i32
        %sign3A_1843 = arith.constant 0 : i32
        %sign3A_1844 = arith.cmpi slt, %jit3A_1831, %sign3A_1843 : i32
        %sign3A_1845 = arith.extui %sign3A_1844 : i1 to i32
        %sign3A_1846 = arith.subi %sign3A_1842, %sign3A_1845 : i32
        %ne3A_1847 = arith.cmpi ne, %sign3A_1839, %sign3A_1846 : i32
        %rem3A_1848 = arith.remsi %mul3A_1830, %jit3A_1831 : i32
        %ne3A_1849 = arith.constant 0 : i32
        %ne3A_1850 = arith.cmpi ne, %rem3A_1848, %ne3A_1849 : i32
        %and3A_1851 = arith.andi %ne3A_1847, %ne3A_1850 : i1
        %sub3A_1852 = arith.constant 1 : i32
        %sub3A_1853 = arith.subi %div3A_1832, %sub3A_1852 : i32
        %select_n3A_1854 = arith.select %and3A_1851, %sub3A_1853, %div3A_1832 : i32
        %dma_start3A_1855 = arith.constant 0 : i32
        %dma_start3A_1856 = tpu.memref_slice %arg2[%select_n3A_1812, %select_n3A_1854, %mul3A_1788, %dma_start3A_1855] : memref<3x64x512x512xf32, #tpu.memory_space<hbm>> -> memref<1x1x32x512xf32, #tpu.memory_space<hbm>>
        %dma_start3A_1857 = tpu.memref_squeeze %dma_start3A_1856 : memref<1x1x32x512xf32, #tpu.memory_space<hbm>> -> memref<32x512xf32, #tpu.memory_space<hbm>>
        %dma_start3A_1858 = arith.constant 0 : i32
        %dma_start3A_1859 = tpu.memref_slice %arg2[%select_n3A_1812, %select_n3A_1854, %mul3A_1788, %dma_start3A_1858] : memref<3x64x512x512xf32, #tpu.memory_space<hbm>> -> memref<1x1x32x512xf32, #tpu.memory_space<hbm>>
        %dma_start3A_1860 = tpu.memref_squeeze %dma_start3A_1859 : memref<1x1x32x512xf32, #tpu.memory_space<hbm>> -> memref<32x512xf32, #tpu.memory_space<hbm>>
        tpu.enqueue_dma source(%dma_start3A_1860 : memref<32x512xf32, #tpu.memory_space<hbm>>) target(%arg4 : memref<32x512xf32, #tpu.memory_space<vmem>>) target_semaphore(%arg8 : memref<!tpu.dma_semaphore, #tpu.memory_space<semaphore_mem>>)
        %add3A_1861 = arith.constant 1 : i32
        %add3A_1862 = arith.addi %add3A_825, %add3A_1861 : i32
        %jit3A_1863 = arith.constant 16 : i32
        %div3A_1864 = arith.divsi %add3A_1862, %jit3A_1863 : i32
        %sign3A_1865 = arith.constant 0 : i32
        %sign3A_1866 = arith.cmpi sgt, %add3A_1862, %sign3A_1865 : i32
        %sign3A_1867 = arith.extui %sign3A_1866 : i1 to i32
        %sign3A_1868 = arith.constant 0 : i32
        %sign3A_1869 = arith.cmpi slt, %add3A_1862, %sign3A_1868 : i32
        %sign3A_1870 = arith.extui %sign3A_1869 : i1 to i32
        %sign3A_1871 = arith.subi %sign3A_1867, %sign3A_1870 : i32
        %sign3A_1872 = arith.constant 0 : i32
        %sign3A_1873 = arith.cmpi sgt, %jit3A_1863, %sign3A_1872 : i32
        %sign3A_1874 = arith.extui %sign3A_1873 : i1 to i32
        %sign3A_1875 = arith.constant 0 : i32
        %sign3A_1876 = arith.cmpi slt, %jit3A_1863, %sign3A_1875 : i32
        %sign3A_1877 = arith.extui %sign3A_1876 : i1 to i32
        %sign3A_1878 = arith.subi %sign3A_1874, %sign3A_1877 : i32
        %ne3A_1879 = arith.cmpi ne, %sign3A_1871, %sign3A_1878 : i32
        %rem3A_1880 = arith.remsi %add3A_1862, %jit3A_1863 : i32
        %ne3A_1881 = arith.constant 0 : i32
        %ne3A_1882 = arith.cmpi ne, %rem3A_1880, %ne3A_1881 : i32
        %and3A_1883 = arith.andi %ne3A_1879, %ne3A_1882 : i1
        %sub3A_1884 = arith.constant 1 : i32
        %sub3A_1885 = arith.subi %div3A_1864, %sub3A_1884 : i32
        %select_n3A_1886 = arith.select %and3A_1883, %sub3A_1885, %div3A_1864 : i32
        %jit3A_1887 = arith.constant 16 : i32
        %eq3A_1888 = arith.constant 0 : i32
        %eq3A_1889 = arith.cmpi eq, %jit3A_1887, %eq3A_1888 : i32
        %jit3A_1890 = arith.constant 1 : i32
        %select_n3A_1891 = arith.select %eq3A_1889, %jit3A_1890, %jit3A_1887 : i32
        %rem3A_1892 = arith.remsi %add3A_1862, %select_n3A_1891 : i32
        %ne3A_1893 = arith.constant 0 : i32
        %ne3A_1894 = arith.cmpi ne, %rem3A_1892, %ne3A_1893 : i32
        %lt3A_1895 = arith.constant 0 : i32
        %lt3A_1896 = arith.cmpi slt, %rem3A_1892, %lt3A_1895 : i32
        %lt3A_1897 = arith.constant 0 : i32
        %lt3A_1898 = arith.cmpi slt, %select_n3A_1891, %lt3A_1897 : i32
        %ne3A_1899 = arith.xori %lt3A_1896, %lt3A_1898 : i1
        %and3A_1900 = arith.andi %ne3A_1899, %ne3A_1894 : i1
        %add3A_1901 = arith.addi %rem3A_1892, %select_n3A_1891 : i32
        %select_n3A_1902 = arith.select %and3A_1900, %add3A_1901, %rem3A_1892 : i32
        %mul3A_1903 = arith.constant 32 : i32
        %mul3A_1904 = arith.muli %select_n3A_1902, %mul3A_1903 : i32
        %jit3A_1905 = arith.constant 16 : i32
        %div3A_1906 = arith.divsi %select_n3A_1886, %jit3A_1905 : i32
        %sign3A_1907 = arith.constant 0 : i32
        %sign3A_1908 = arith.cmpi sgt, %select_n3A_1886, %sign3A_1907 : i32
        %sign3A_1909 = arith.extui %sign3A_1908 : i1 to i32
        %sign3A_1910 = arith.constant 0 : i32
        %sign3A_1911 = arith.cmpi slt, %select_n3A_1886, %sign3A_1910 : i32
        %sign3A_1912 = arith.extui %sign3A_1911 : i1 to i32
        %sign3A_1913 = arith.subi %sign3A_1909, %sign3A_1912 : i32
        %sign3A_1914 = arith.constant 0 : i32
        %sign3A_1915 = arith.cmpi sgt, %jit3A_1905, %sign3A_1914 : i32
        %sign3A_1916 = arith.extui %sign3A_1915 : i1 to i32
        %sign3A_1917 = arith.constant 0 : i32
        %sign3A_1918 = arith.cmpi slt, %jit3A_1905, %sign3A_1917 : i32
        %sign3A_1919 = arith.extui %sign3A_1918 : i1 to i32
        %sign3A_1920 = arith.subi %sign3A_1916, %sign3A_1919 : i32
        %ne3A_1921 = arith.cmpi ne, %sign3A_1913, %sign3A_1920 : i32
        %rem3A_1922 = arith.remsi %select_n3A_1886, %jit3A_1905 : i32
        %ne3A_1923 = arith.constant 0 : i32
        %ne3A_1924 = arith.cmpi ne, %rem3A_1922, %ne3A_1923 : i32
        %and3A_1925 = arith.andi %ne3A_1921, %ne3A_1924 : i1
        %sub3A_1926 = arith.constant 1 : i32
        %sub3A_1927 = arith.subi %div3A_1906, %sub3A_1926 : i32
        %select_n3A_1928 = arith.select %and3A_1925, %sub3A_1927, %div3A_1906 : i32
        %jit3A_1929 = arith.constant 16 : i32
        %eq3A_1930 = arith.constant 0 : i32
        %eq3A_1931 = arith.cmpi eq, %jit3A_1929, %eq3A_1930 : i32
        %jit3A_1932 = arith.constant 1 : i32
        %select_n3A_1933 = arith.select %eq3A_1931, %jit3A_1932, %jit3A_1929 : i32
        %rem3A_1934 = arith.remsi %select_n3A_1886, %select_n3A_1933 : i32
        %ne3A_1935 = arith.constant 0 : i32
        %ne3A_1936 = arith.cmpi ne, %rem3A_1934, %ne3A_1935 : i32
        %lt3A_1937 = arith.constant 0 : i32
        %lt3A_1938 = arith.cmpi slt, %rem3A_1934, %lt3A_1937 : i32
        %lt3A_1939 = arith.constant 0 : i32
        %lt3A_1940 = arith.cmpi slt, %select_n3A_1933, %lt3A_1939 : i32
        %ne3A_1941 = arith.xori %lt3A_1938, %lt3A_1940 : i1
        %and3A_1942 = arith.andi %ne3A_1941, %ne3A_1936 : i1
        %add3A_1943 = arith.addi %rem3A_1934, %select_n3A_1933 : i32
        %select_n3A_1944 = arith.select %and3A_1942, %add3A_1943, %rem3A_1934 : i32
        %dma_wait3A_1945 = arith.constant 0 : i32
        %dma_wait3A_1946 = tpu.memref_slice %arg3[%select_n3A_1928, %select_n3A_1944, %mul3A_1904, %dma_wait3A_1945] : memref<3x16x512x512xf32, #tpu.memory_space<hbm>> -> memref<1x1x32x512xf32, #tpu.memory_space<hbm>>
        %dma_wait3A_1947 = tpu.memref_squeeze %dma_wait3A_1946 : memref<1x1x32x512xf32, #tpu.memory_space<hbm>> -> memref<32x512xf32, #tpu.memory_space<hbm>>
        %dma_wait3A_1948 = arith.constant 0 : i32
        %dma_wait3A_1949 = tpu.memref_slice %arg3[%select_n3A_1928, %select_n3A_1944, %mul3A_1904, %dma_wait3A_1948] : memref<3x16x512x512xf32, #tpu.memory_space<hbm>> -> memref<1x1x32x512xf32, #tpu.memory_space<hbm>>
        %dma_wait3A_1950 = tpu.memref_squeeze %dma_wait3A_1949 : memref<1x1x32x512xf32, #tpu.memory_space<hbm>> -> memref<32x512xf32, #tpu.memory_space<hbm>>
        tpu.wait_dma2 semaphore(%arg13 : memref<!tpu.dma_semaphore, #tpu.memory_space<semaphore_mem>>) src(%arg5 : memref<32x512xf32, #tpu.memory_space<vmem>>) dst(%dma_wait3A_1950 : memref<32x512xf32, #tpu.memory_space<hbm>>)
        %add3A_1951 = arith.constant 4 : i32
        %add3A_1952 = arith.addi %add3A_825, %add3A_1951 : i32
        %add3A_1953 = arith.constant 1 : i32
        %add3A_1954 = arith.addi %add3A_1952, %add3A_1953 : i32
        %jit3A_1955 = arith.constant 16 : i32
        %div3A_1956 = arith.divsi %add3A_1954, %jit3A_1955 : i32
        %sign3A_1957 = arith.constant 0 : i32
        %sign3A_1958 = arith.cmpi sgt, %add3A_1954, %sign3A_1957 : i32
        %sign3A_1959 = arith.extui %sign3A_1958 : i1 to i32
        %sign3A_1960 = arith.constant 0 : i32
        %sign3A_1961 = arith.cmpi slt, %add3A_1954, %sign3A_1960 : i32
        %sign3A_1962 = arith.extui %sign3A_1961 : i1 to i32
        %sign3A_1963 = arith.subi %sign3A_1959, %sign3A_1962 : i32
        %sign3A_1964 = arith.constant 0 : i32
        %sign3A_1965 = arith.cmpi sgt, %jit3A_1955, %sign3A_1964 : i32
        %sign3A_1966 = arith.extui %sign3A_1965 : i1 to i32
        %sign3A_1967 = arith.constant 0 : i32
        %sign3A_1968 = arith.cmpi slt, %jit3A_1955, %sign3A_1967 : i32
        %sign3A_1969 = arith.extui %sign3A_1968 : i1 to i32
        %sign3A_1970 = arith.subi %sign3A_1966, %sign3A_1969 : i32
        %ne3A_1971 = arith.cmpi ne, %sign3A_1963, %sign3A_1970 : i32
        %rem3A_1972 = arith.remsi %add3A_1954, %jit3A_1955 : i32
        %ne3A_1973 = arith.constant 0 : i32
        %ne3A_1974 = arith.cmpi ne, %rem3A_1972, %ne3A_1973 : i32
        %and3A_1975 = arith.andi %ne3A_1971, %ne3A_1974 : i1
        %sub3A_1976 = arith.constant 1 : i32
        %sub3A_1977 = arith.subi %div3A_1956, %sub3A_1976 : i32
        %select_n3A_1978 = arith.select %and3A_1975, %sub3A_1977, %div3A_1956 : i32
        %jit3A_1979 = arith.constant 16 : i32
        %eq3A_1980 = arith.constant 0 : i32
        %eq3A_1981 = arith.cmpi eq, %jit3A_1979, %eq3A_1980 : i32
        %jit3A_1982 = arith.constant 1 : i32
        %select_n3A_1983 = arith.select %eq3A_1981, %jit3A_1982, %jit3A_1979 : i32
        %rem3A_1984 = arith.remsi %add3A_1954, %select_n3A_1983 : i32
        %ne3A_1985 = arith.constant 0 : i32
        %ne3A_1986 = arith.cmpi ne, %rem3A_1984, %ne3A_1985 : i32
        %lt3A_1987 = arith.constant 0 : i32
        %lt3A_1988 = arith.cmpi slt, %rem3A_1984, %lt3A_1987 : i32
        %lt3A_1989 = arith.constant 0 : i32
        %lt3A_1990 = arith.cmpi slt, %select_n3A_1983, %lt3A_1989 : i32
        %ne3A_1991 = arith.xori %lt3A_1988, %lt3A_1990 : i1
        %and3A_1992 = arith.andi %ne3A_1991, %ne3A_1986 : i1
        %add3A_1993 = arith.addi %rem3A_1984, %select_n3A_1983 : i32
        %select_n3A_1994 = arith.select %and3A_1992, %add3A_1993, %rem3A_1984 : i32
        %mul3A_1995 = arith.constant 32 : i32
        %mul3A_1996 = arith.muli %select_n3A_1994, %mul3A_1995 : i32
        %jit3A_1997 = arith.constant 16 : i32
        %div3A_1998 = arith.divsi %select_n3A_1978, %jit3A_1997 : i32
        %sign3A_1999 = arith.constant 0 : i32
        %sign3A_2000 = arith.cmpi sgt, %select_n3A_1978, %sign3A_1999 : i32
        %sign3A_2001 = arith.extui %sign3A_2000 : i1 to i32
        %sign3A_2002 = arith.constant 0 : i32
        %sign3A_2003 = arith.cmpi slt, %select_n3A_1978, %sign3A_2002 : i32
        %sign3A_2004 = arith.extui %sign3A_2003 : i1 to i32
        %sign3A_2005 = arith.subi %sign3A_2001, %sign3A_2004 : i32
        %sign3A_2006 = arith.constant 0 : i32
        %sign3A_2007 = arith.cmpi sgt, %jit3A_1997, %sign3A_2006 : i32
        %sign3A_2008 = arith.extui %sign3A_2007 : i1 to i32
        %sign3A_2009 = arith.constant 0 : i32
        %sign3A_2010 = arith.cmpi slt, %jit3A_1997, %sign3A_2009 : i32
        %sign3A_2011 = arith.extui %sign3A_2010 : i1 to i32
        %sign3A_2012 = arith.subi %sign3A_2008, %sign3A_2011 : i32
        %ne3A_2013 = arith.cmpi ne, %sign3A_2005, %sign3A_2012 : i32
        %rem3A_2014 = arith.remsi %select_n3A_1978, %jit3A_1997 : i32
        %ne3A_2015 = arith.constant 0 : i32
        %ne3A_2016 = arith.cmpi ne, %rem3A_2014, %ne3A_2015 : i32
        %and3A_2017 = arith.andi %ne3A_2013, %ne3A_2016 : i1
        %sub3A_2018 = arith.constant 1 : i32
        %sub3A_2019 = arith.subi %div3A_1998, %sub3A_2018 : i32
        %select_n3A_2020 = arith.select %and3A_2017, %sub3A_2019, %div3A_1998 : i32
        %jit3A_2021 = arith.constant 16 : i32
        %eq3A_2022 = arith.constant 0 : i32
        %eq3A_2023 = arith.cmpi eq, %jit3A_2021, %eq3A_2022 : i32
        %jit3A_2024 = arith.constant 1 : i32
        %select_n3A_2025 = arith.select %eq3A_2023, %jit3A_2024, %jit3A_2021 : i32
        %rem3A_2026 = arith.remsi %select_n3A_1978, %select_n3A_2025 : i32
        %ne3A_2027 = arith.constant 0 : i32
        %ne3A_2028 = arith.cmpi ne, %rem3A_2026, %ne3A_2027 : i32
        %lt3A_2029 = arith.constant 0 : i32
        %lt3A_2030 = arith.cmpi slt, %rem3A_2026, %lt3A_2029 : i32
        %lt3A_2031 = arith.constant 0 : i32
        %lt3A_2032 = arith.cmpi slt, %select_n3A_2025, %lt3A_2031 : i32
        %ne3A_2033 = arith.xori %lt3A_2030, %lt3A_2032 : i1
        %and3A_2034 = arith.andi %ne3A_2033, %ne3A_2028 : i1
        %add3A_2035 = arith.addi %rem3A_2026, %select_n3A_2025 : i32
        %select_n3A_2036 = arith.select %and3A_2034, %add3A_2035, %rem3A_2026 : i32
        %mul3A_2037 = arith.constant 21 : i32
        %mul3A_2038 = arith.muli %mul3A_2037, %select_n3A_2036 : i32
        %jit3A_2039 = arith.constant 5 : i32
        %div3A_2040 = arith.divsi %mul3A_2038, %jit3A_2039 : i32
        %sign3A_2041 = arith.constant 0 : i32
        %sign3A_2042 = arith.cmpi sgt, %mul3A_2038, %sign3A_2041 : i32
        %sign3A_2043 = arith.extui %sign3A_2042 : i1 to i32
        %sign3A_2044 = arith.constant 0 : i32
        %sign3A_2045 = arith.cmpi slt, %mul3A_2038, %sign3A_2044 : i32
        %sign3A_2046 = arith.extui %sign3A_2045 : i1 to i32
        %sign3A_2047 = arith.subi %sign3A_2043, %sign3A_2046 : i32
        %sign3A_2048 = arith.constant 0 : i32
        %sign3A_2049 = arith.cmpi sgt, %jit3A_2039, %sign3A_2048 : i32
        %sign3A_2050 = arith.extui %sign3A_2049 : i1 to i32
        %sign3A_2051 = arith.constant 0 : i32
        %sign3A_2052 = arith.cmpi slt, %jit3A_2039, %sign3A_2051 : i32
        %sign3A_2053 = arith.extui %sign3A_2052 : i1 to i32
        %sign3A_2054 = arith.subi %sign3A_2050, %sign3A_2053 : i32
        %ne3A_2055 = arith.cmpi ne, %sign3A_2047, %sign3A_2054 : i32
        %rem3A_2056 = arith.remsi %mul3A_2038, %jit3A_2039 : i32
        %ne3A_2057 = arith.constant 0 : i32
        %ne3A_2058 = arith.cmpi ne, %rem3A_2056, %ne3A_2057 : i32
        %and3A_2059 = arith.andi %ne3A_2055, %ne3A_2058 : i1
        %sub3A_2060 = arith.constant 1 : i32
        %sub3A_2061 = arith.subi %div3A_2040, %sub3A_2060 : i32
        %select_n3A_2062 = arith.select %and3A_2059, %sub3A_2061, %div3A_2040 : i32
        %dma_start3A_2063 = arith.constant 0 : i32
        %dma_start3A_2064 = tpu.memref_slice %arg2[%select_n3A_2020, %select_n3A_2062, %mul3A_1996, %dma_start3A_2063] : memref<3x64x512x512xf32, #tpu.memory_space<hbm>> -> memref<1x1x32x512xf32, #tpu.memory_space<hbm>>
        %dma_start3A_2065 = tpu.memref_squeeze %dma_start3A_2064 : memref<1x1x32x512xf32, #tpu.memory_space<hbm>> -> memref<32x512xf32, #tpu.memory_space<hbm>>
        %dma_start3A_2066 = arith.constant 0 : i32
        %dma_start3A_2067 = tpu.memref_slice %arg2[%select_n3A_2020, %select_n3A_2062, %mul3A_1996, %dma_start3A_2066] : memref<3x64x512x512xf32, #tpu.memory_space<hbm>> -> memref<1x1x32x512xf32, #tpu.memory_space<hbm>>
        %dma_start3A_2068 = tpu.memref_squeeze %dma_start3A_2067 : memref<1x1x32x512xf32, #tpu.memory_space<hbm>> -> memref<32x512xf32, #tpu.memory_space<hbm>>
        tpu.enqueue_dma source(%dma_start3A_2068 : memref<32x512xf32, #tpu.memory_space<hbm>>) target(%arg5 : memref<32x512xf32, #tpu.memory_space<vmem>>) target_semaphore(%arg9 : memref<!tpu.dma_semaphore, #tpu.memory_space<semaphore_mem>>)
        %add3A_2069 = arith.constant 2 : i32
        %add3A_2070 = arith.addi %add3A_825, %add3A_2069 : i32
        %jit3A_2071 = arith.constant 16 : i32
        %div3A_2072 = arith.divsi %add3A_2070, %jit3A_2071 : i32
        %sign3A_2073 = arith.constant 0 : i32
        %sign3A_2074 = arith.cmpi sgt, %add3A_2070, %sign3A_2073 : i32
        %sign3A_2075 = arith.extui %sign3A_2074 : i1 to i32
        %sign3A_2076 = arith.constant 0 : i32
        %sign3A_2077 = arith.cmpi slt, %add3A_2070, %sign3A_2076 : i32
        %sign3A_2078 = arith.extui %sign3A_2077 : i1 to i32
        %sign3A_2079 = arith.subi %sign3A_2075, %sign3A_2078 : i32
        %sign3A_2080 = arith.constant 0 : i32
        %sign3A_2081 = arith.cmpi sgt, %jit3A_2071, %sign3A_2080 : i32
        %sign3A_2082 = arith.extui %sign3A_2081 : i1 to i32
        %sign3A_2083 = arith.constant 0 : i32
        %sign3A_2084 = arith.cmpi slt, %jit3A_2071, %sign3A_2083 : i32
        %sign3A_2085 = arith.extui %sign3A_2084 : i1 to i32
        %sign3A_2086 = arith.subi %sign3A_2082, %sign3A_2085 : i32
        %ne3A_2087 = arith.cmpi ne, %sign3A_2079, %sign3A_2086 : i32
        %rem3A_2088 = arith.remsi %add3A_2070, %jit3A_2071 : i32
        %ne3A_2089 = arith.constant 0 : i32
        %ne3A_2090 = arith.cmpi ne, %rem3A_2088, %ne3A_2089 : i32
        %and3A_2091 = arith.andi %ne3A_2087, %ne3A_2090 : i1
        %sub3A_2092 = arith.constant 1 : i32
        %sub3A_2093 = arith.subi %div3A_2072, %sub3A_2092 : i32
        %select_n3A_2094 = arith.select %and3A_2091, %sub3A_2093, %div3A_2072 : i32
        %jit3A_2095 = arith.constant 16 : i32
        %eq3A_2096 = arith.constant 0 : i32
        %eq3A_2097 = arith.cmpi eq, %jit3A_2095, %eq3A_2096 : i32
        %jit3A_2098 = arith.constant 1 : i32
        %select_n3A_2099 = arith.select %eq3A_2097, %jit3A_2098, %jit3A_2095 : i32
        %rem3A_2100 = arith.remsi %add3A_2070, %select_n3A_2099 : i32
        %ne3A_2101 = arith.constant 0 : i32
        %ne3A_2102 = arith.cmpi ne, %rem3A_2100, %ne3A_2101 : i32
        %lt3A_2103 = arith.constant 0 : i32
        %lt3A_2104 = arith.cmpi slt, %rem3A_2100, %lt3A_2103 : i32
        %lt3A_2105 = arith.constant 0 : i32
        %lt3A_2106 = arith.cmpi slt, %select_n3A_2099, %lt3A_2105 : i32
        %ne3A_2107 = arith.xori %lt3A_2104, %lt3A_2106 : i1
        %and3A_2108 = arith.andi %ne3A_2107, %ne3A_2102 : i1
        %add3A_2109 = arith.addi %rem3A_2100, %select_n3A_2099 : i32
        %select_n3A_2110 = arith.select %and3A_2108, %add3A_2109, %rem3A_2100 : i32
        %mul3A_2111 = arith.constant 32 : i32
        %mul3A_2112 = arith.muli %select_n3A_2110, %mul3A_2111 : i32
        %jit3A_2113 = arith.constant 16 : i32
        %div3A_2114 = arith.divsi %select_n3A_2094, %jit3A_2113 : i32
        %sign3A_2115 = arith.constant 0 : i32
        %sign3A_2116 = arith.cmpi sgt, %select_n3A_2094, %sign3A_2115 : i32
        %sign3A_2117 = arith.extui %sign3A_2116 : i1 to i32
        %sign3A_2118 = arith.constant 0 : i32
        %sign3A_2119 = arith.cmpi slt, %select_n3A_2094, %sign3A_2118 : i32
        %sign3A_2120 = arith.extui %sign3A_2119 : i1 to i32
        %sign3A_2121 = arith.subi %sign3A_2117, %sign3A_2120 : i32
        %sign3A_2122 = arith.constant 0 : i32
        %sign3A_2123 = arith.cmpi sgt, %jit3A_2113, %sign3A_2122 : i32
        %sign3A_2124 = arith.extui %sign3A_2123 : i1 to i32
        %sign3A_2125 = arith.constant 0 : i32
        %sign3A_2126 = arith.cmpi slt, %jit3A_2113, %sign3A_2125 : i32
        %sign3A_2127 = arith.extui %sign3A_2126 : i1 to i32
        %sign3A_2128 = arith.subi %sign3A_2124, %sign3A_2127 : i32
        %ne3A_2129 = arith.cmpi ne, %sign3A_2121, %sign3A_2128 : i32
        %rem3A_2130 = arith.remsi %select_n3A_2094, %jit3A_2113 : i32
        %ne3A_2131 = arith.constant 0 : i32
        %ne3A_2132 = arith.cmpi ne, %rem3A_2130, %ne3A_2131 : i32
        %and3A_2133 = arith.andi %ne3A_2129, %ne3A_2132 : i1
        %sub3A_2134 = arith.constant 1 : i32
        %sub3A_2135 = arith.subi %div3A_2114, %sub3A_2134 : i32
        %select_n3A_2136 = arith.select %and3A_2133, %sub3A_2135, %div3A_2114 : i32
        %jit3A_2137 = arith.constant 16 : i32
        %eq3A_2138 = arith.constant 0 : i32
        %eq3A_2139 = arith.cmpi eq, %jit3A_2137, %eq3A_2138 : i32
        %jit3A_2140 = arith.constant 1 : i32
        %select_n3A_2141 = arith.select %eq3A_2139, %jit3A_2140, %jit3A_2137 : i32
        %rem3A_2142 = arith.remsi %select_n3A_2094, %select_n3A_2141 : i32
        %ne3A_2143 = arith.constant 0 : i32
        %ne3A_2144 = arith.cmpi ne, %rem3A_2142, %ne3A_2143 : i32
        %lt3A_2145 = arith.constant 0 : i32
        %lt3A_2146 = arith.cmpi slt, %rem3A_2142, %lt3A_2145 : i32
        %lt3A_2147 = arith.constant 0 : i32
        %lt3A_2148 = arith.cmpi slt, %select_n3A_2141, %lt3A_2147 : i32
        %ne3A_2149 = arith.xori %lt3A_2146, %lt3A_2148 : i1
        %and3A_2150 = arith.andi %ne3A_2149, %ne3A_2144 : i1
        %add3A_2151 = arith.addi %rem3A_2142, %select_n3A_2141 : i32
        %select_n3A_2152 = arith.select %and3A_2150, %add3A_2151, %rem3A_2142 : i32
        %dma_wait3A_2153 = arith.constant 0 : i32
        %dma_wait3A_2154 = tpu.memref_slice %arg3[%select_n3A_2136, %select_n3A_2152, %mul3A_2112, %dma_wait3A_2153] : memref<3x16x512x512xf32, #tpu.memory_space<hbm>> -> memref<1x1x32x512xf32, #tpu.memory_space<hbm>>
        %dma_wait3A_2155 = tpu.memref_squeeze %dma_wait3A_2154 : memref<1x1x32x512xf32, #tpu.memory_space<hbm>> -> memref<32x512xf32, #tpu.memory_space<hbm>>
        %dma_wait3A_2156 = arith.constant 0 : i32
        %dma_wait3A_2157 = tpu.memref_slice %arg3[%select_n3A_2136, %select_n3A_2152, %mul3A_2112, %dma_wait3A_2156] : memref<3x16x512x512xf32, #tpu.memory_space<hbm>> -> memref<1x1x32x512xf32, #tpu.memory_space<hbm>>
        %dma_wait3A_2158 = tpu.memref_squeeze %dma_wait3A_2157 : memref<1x1x32x512xf32, #tpu.memory_space<hbm>> -> memref<32x512xf32, #tpu.memory_space<hbm>>
        tpu.wait_dma2 semaphore(%arg14 : memref<!tpu.dma_semaphore, #tpu.memory_space<semaphore_mem>>) src(%arg6 : memref<32x512xf32, #tpu.memory_space<vmem>>) dst(%dma_wait3A_2158 : memref<32x512xf32, #tpu.memory_space<hbm>>)
        %add3A_2159 = arith.constant 4 : i32
        %add3A_2160 = arith.addi %add3A_825, %add3A_2159 : i32
        %add3A_2161 = arith.constant 2 : i32
        %add3A_2162 = arith.addi %add3A_2160, %add3A_2161 : i32
        %jit3A_2163 = arith.constant 16 : i32
        %div3A_2164 = arith.divsi %add3A_2162, %jit3A_2163 : i32
        %sign3A_2165 = arith.constant 0 : i32
        %sign3A_2166 = arith.cmpi sgt, %add3A_2162, %sign3A_2165 : i32
        %sign3A_2167 = arith.extui %sign3A_2166 : i1 to i32
        %sign3A_2168 = arith.constant 0 : i32
        %sign3A_2169 = arith.cmpi slt, %add3A_2162, %sign3A_2168 : i32
        %sign3A_2170 = arith.extui %sign3A_2169 : i1 to i32
        %sign3A_2171 = arith.subi %sign3A_2167, %sign3A_2170 : i32
        %sign3A_2172 = arith.constant 0 : i32
        %sign3A_2173 = arith.cmpi sgt, %jit3A_2163, %sign3A_2172 : i32
        %sign3A_2174 = arith.extui %sign3A_2173 : i1 to i32
        %sign3A_2175 = arith.constant 0 : i32
        %sign3A_2176 = arith.cmpi slt, %jit3A_2163, %sign3A_2175 : i32
        %sign3A_2177 = arith.extui %sign3A_2176 : i1 to i32
        %sign3A_2178 = arith.subi %sign3A_2174, %sign3A_2177 : i32
        %ne3A_2179 = arith.cmpi ne, %sign3A_2171, %sign3A_2178 : i32
        %rem3A_2180 = arith.remsi %add3A_2162, %jit3A_2163 : i32
        %ne3A_2181 = arith.constant 0 : i32
        %ne3A_2182 = arith.cmpi ne, %rem3A_2180, %ne3A_2181 : i32
        %and3A_2183 = arith.andi %ne3A_2179, %ne3A_2182 : i1
        %sub3A_2184 = arith.constant 1 : i32
        %sub3A_2185 = arith.subi %div3A_2164, %sub3A_2184 : i32
        %select_n3A_2186 = arith.select %and3A_2183, %sub3A_2185, %div3A_2164 : i32
        %jit3A_2187 = arith.constant 16 : i32
        %eq3A_2188 = arith.constant 0 : i32
        %eq3A_2189 = arith.cmpi eq, %jit3A_2187, %eq3A_2188 : i32
        %jit3A_2190 = arith.constant 1 : i32
        %select_n3A_2191 = arith.select %eq3A_2189, %jit3A_2190, %jit3A_2187 : i32
        %rem3A_2192 = arith.remsi %add3A_2162, %select_n3A_2191 : i32
        %ne3A_2193 = arith.constant 0 : i32
        %ne3A_2194 = arith.cmpi ne, %rem3A_2192, %ne3A_2193 : i32
        %lt3A_2195 = arith.constant 0 : i32
        %lt3A_2196 = arith.cmpi slt, %rem3A_2192, %lt3A_2195 : i32
        %lt3A_2197 = arith.constant 0 : i32
        %lt3A_2198 = arith.cmpi slt, %select_n3A_2191, %lt3A_2197 : i32
        %ne3A_2199 = arith.xori %lt3A_2196, %lt3A_2198 : i1
        %and3A_2200 = arith.andi %ne3A_2199, %ne3A_2194 : i1
        %add3A_2201 = arith.addi %rem3A_2192, %select_n3A_2191 : i32
        %select_n3A_2202 = arith.select %and3A_2200, %add3A_2201, %rem3A_2192 : i32
        %mul3A_2203 = arith.constant 32 : i32
        %mul3A_2204 = arith.muli %select_n3A_2202, %mul3A_2203 : i32
        %jit3A_2205 = arith.constant 16 : i32
        %div3A_2206 = arith.divsi %select_n3A_2186, %jit3A_2205 : i32
        %sign3A_2207 = arith.constant 0 : i32
        %sign3A_2208 = arith.cmpi sgt, %select_n3A_2186, %sign3A_2207 : i32
        %sign3A_2209 = arith.extui %sign3A_2208 : i1 to i32
        %sign3A_2210 = arith.constant 0 : i32
        %sign3A_2211 = arith.cmpi slt, %select_n3A_2186, %sign3A_2210 : i32
        %sign3A_2212 = arith.extui %sign3A_2211 : i1 to i32
        %sign3A_2213 = arith.subi %sign3A_2209, %sign3A_2212 : i32
        %sign3A_2214 = arith.constant 0 : i32
        %sign3A_2215 = arith.cmpi sgt, %jit3A_2205, %sign3A_2214 : i32
        %sign3A_2216 = arith.extui %sign3A_2215 : i1 to i32
        %sign3A_2217 = arith.constant 0 : i32
        %sign3A_2218 = arith.cmpi slt, %jit3A_2205, %sign3A_2217 : i32
        %sign3A_2219 = arith.extui %sign3A_2218 : i1 to i32
        %sign3A_2220 = arith.subi %sign3A_2216, %sign3A_2219 : i32
        %ne3A_2221 = arith.cmpi ne, %sign3A_2213, %sign3A_2220 : i32
        %rem3A_2222 = arith.remsi %select_n3A_2186, %jit3A_2205 : i32
        %ne3A_2223 = arith.constant 0 : i32
        %ne3A_2224 = arith.cmpi ne, %rem3A_2222, %ne3A_2223 : i32
        %and3A_2225 = arith.andi %ne3A_2221, %ne3A_2224 : i1
        %sub3A_2226 = arith.constant 1 : i32
        %sub3A_2227 = arith.subi %div3A_2206, %sub3A_2226 : i32
        %select_n3A_2228 = arith.select %and3A_2225, %sub3A_2227, %div3A_2206 : i32
        %jit3A_2229 = arith.constant 16 : i32
        %eq3A_2230 = arith.constant 0 : i32
        %eq3A_2231 = arith.cmpi eq, %jit3A_2229, %eq3A_2230 : i32
        %jit3A_2232 = arith.constant 1 : i32
        %select_n3A_2233 = arith.select %eq3A_2231, %jit3A_2232, %jit3A_2229 : i32
        %rem3A_2234 = arith.remsi %select_n3A_2186, %select_n3A_2233 : i32
        %ne3A_2235 = arith.constant 0 : i32
        %ne3A_2236 = arith.cmpi ne, %rem3A_2234, %ne3A_2235 : i32
        %lt3A_2237 = arith.constant 0 : i32
        %lt3A_2238 = arith.cmpi slt, %rem3A_2234, %lt3A_2237 : i32
        %lt3A_2239 = arith.constant 0 : i32
        %lt3A_2240 = arith.cmpi slt, %select_n3A_2233, %lt3A_2239 : i32
        %ne3A_2241 = arith.xori %lt3A_2238, %lt3A_2240 : i1
        %and3A_2242 = arith.andi %ne3A_2241, %ne3A_2236 : i1
        %add3A_2243 = arith.addi %rem3A_2234, %select_n3A_2233 : i32
        %select_n3A_2244 = arith.select %and3A_2242, %add3A_2243, %rem3A_2234 : i32
        %mul3A_2245 = arith.constant 21 : i32
        %mul3A_2246 = arith.muli %mul3A_2245, %select_n3A_2244 : i32
        %jit3A_2247 = arith.constant 5 : i32
        %div3A_2248 = arith.divsi %mul3A_2246, %jit3A_2247 : i32
        %sign3A_2249 = arith.constant 0 : i32
        %sign3A_2250 = arith.cmpi sgt, %mul3A_2246, %sign3A_2249 : i32
        %sign3A_2251 = arith.extui %sign3A_2250 : i1 to i32
        %sign3A_2252 = arith.constant 0 : i32
        %sign3A_2253 = arith.cmpi slt, %mul3A_2246, %sign3A_2252 : i32
        %sign3A_2254 = arith.extui %sign3A_2253 : i1 to i32
        %sign3A_2255 = arith.subi %sign3A_2251, %sign3A_2254 : i32
        %sign3A_2256 = arith.constant 0 : i32
        %sign3A_2257 = arith.cmpi sgt, %jit3A_2247, %sign3A_2256 : i32
        %sign3A_2258 = arith.extui %sign3A_2257 : i1 to i32
        %sign3A_2259 = arith.constant 0 : i32
        %sign3A_2260 = arith.cmpi slt, %jit3A_2247, %sign3A_2259 : i32
        %sign3A_2261 = arith.extui %sign3A_2260 : i1 to i32
        %sign3A_2262 = arith.subi %sign3A_2258, %sign3A_2261 : i32
        %ne3A_2263 = arith.cmpi ne, %sign3A_2255, %sign3A_2262 : i32
        %rem3A_2264 = arith.remsi %mul3A_2246, %jit3A_2247 : i32
        %ne3A_2265 = arith.constant 0 : i32
        %ne3A_2266 = arith.cmpi ne, %rem3A_2264, %ne3A_2265 : i32
        %and3A_2267 = arith.andi %ne3A_2263, %ne3A_2266 : i1
        %sub3A_2268 = arith.constant 1 : i32
        %sub3A_2269 = arith.subi %div3A_2248, %sub3A_2268 : i32
        %select_n3A_2270 = arith.select %and3A_2267, %sub3A_2269, %div3A_2248 : i32
        %dma_start3A_2271 = arith.constant 0 : i32
        %dma_start3A_2272 = tpu.memref_slice %arg2[%select_n3A_2228, %select_n3A_2270, %mul3A_2204, %dma_start3A_2271] : memref<3x64x512x512xf32, #tpu.memory_space<hbm>> -> memref<1x1x32x512xf32, #tpu.memory_space<hbm>>
        %dma_start3A_2273 = tpu.memref_squeeze %dma_start3A_2272 : memref<1x1x32x512xf32, #tpu.memory_space<hbm>> -> memref<32x512xf32, #tpu.memory_space<hbm>>
        %dma_start3A_2274 = arith.constant 0 : i32
        %dma_start3A_2275 = tpu.memref_slice %arg2[%select_n3A_2228, %select_n3A_2270, %mul3A_2204, %dma_start3A_2274] : memref<3x64x512x512xf32, #tpu.memory_space<hbm>> -> memref<1x1x32x512xf32, #tpu.memory_space<hbm>>
        %dma_start3A_2276 = tpu.memref_squeeze %dma_start3A_2275 : memref<1x1x32x512xf32, #tpu.memory_space<hbm>> -> memref<32x512xf32, #tpu.memory_space<hbm>>
        tpu.enqueue_dma source(%dma_start3A_2276 : memref<32x512xf32, #tpu.memory_space<hbm>>) target(%arg6 : memref<32x512xf32, #tpu.memory_space<vmem>>) target_semaphore(%arg10 : memref<!tpu.dma_semaphore, #tpu.memory_space<semaphore_mem>>)
        %add3A_2277 = arith.constant 3 : i32
        %add3A_2278 = arith.addi %add3A_825, %add3A_2277 : i32
        %jit3A_2279 = arith.constant 16 : i32
        %div3A_2280 = arith.divsi %add3A_2278, %jit3A_2279 : i32
        %sign3A_2281 = arith.constant 0 : i32
        %sign3A_2282 = arith.cmpi sgt, %add3A_2278, %sign3A_2281 : i32
        %sign3A_2283 = arith.extui %sign3A_2282 : i1 to i32
        %sign3A_2284 = arith.constant 0 : i32
        %sign3A_2285 = arith.cmpi slt, %add3A_2278, %sign3A_2284 : i32
        %sign3A_2286 = arith.extui %sign3A_2285 : i1 to i32
        %sign3A_2287 = arith.subi %sign3A_2283, %sign3A_2286 : i32
        %sign3A_2288 = arith.constant 0 : i32
        %sign3A_2289 = arith.cmpi sgt, %jit3A_2279, %sign3A_2288 : i32
        %sign3A_2290 = arith.extui %sign3A_2289 : i1 to i32
        %sign3A_2291 = arith.constant 0 : i32
        %sign3A_2292 = arith.cmpi slt, %jit3A_2279, %sign3A_2291 : i32
        %sign3A_2293 = arith.extui %sign3A_2292 : i1 to i32
        %sign3A_2294 = arith.subi %sign3A_2290, %sign3A_2293 : i32
        %ne3A_2295 = arith.cmpi ne, %sign3A_2287, %sign3A_2294 : i32
        %rem3A_2296 = arith.remsi %add3A_2278, %jit3A_2279 : i32
        %ne3A_2297 = arith.constant 0 : i32
        %ne3A_2298 = arith.cmpi ne, %rem3A_2296, %ne3A_2297 : i32
        %and3A_2299 = arith.andi %ne3A_2295, %ne3A_2298 : i1
        %sub3A_2300 = arith.constant 1 : i32
        %sub3A_2301 = arith.subi %div3A_2280, %sub3A_2300 : i32
        %select_n3A_2302 = arith.select %and3A_2299, %sub3A_2301, %div3A_2280 : i32
        %jit3A_2303 = arith.constant 16 : i32
        %eq3A_2304 = arith.constant 0 : i32
        %eq3A_2305 = arith.cmpi eq, %jit3A_2303, %eq3A_2304 : i32
        %jit3A_2306 = arith.constant 1 : i32
        %select_n3A_2307 = arith.select %eq3A_2305, %jit3A_2306, %jit3A_2303 : i32
        %rem3A_2308 = arith.remsi %add3A_2278, %select_n3A_2307 : i32
        %ne3A_2309 = arith.constant 0 : i32
        %ne3A_2310 = arith.cmpi ne, %rem3A_2308, %ne3A_2309 : i32
        %lt3A_2311 = arith.constant 0 : i32
        %lt3A_2312 = arith.cmpi slt, %rem3A_2308, %lt3A_2311 : i32
        %lt3A_2313 = arith.constant 0 : i32
        %lt3A_2314 = arith.cmpi slt, %select_n3A_2307, %lt3A_2313 : i32
        %ne3A_2315 = arith.xori %lt3A_2312, %lt3A_2314 : i1
        %and3A_2316 = arith.andi %ne3A_2315, %ne3A_2310 : i1
        %add3A_2317 = arith.addi %rem3A_2308, %select_n3A_2307 : i32
        %select_n3A_2318 = arith.select %and3A_2316, %add3A_2317, %rem3A_2308 : i32
        %mul3A_2319 = arith.constant 32 : i32
        %mul3A_2320 = arith.muli %select_n3A_2318, %mul3A_2319 : i32
        %jit3A_2321 = arith.constant 16 : i32
        %div3A_2322 = arith.divsi %select_n3A_2302, %jit3A_2321 : i32
        %sign3A_2323 = arith.constant 0 : i32
        %sign3A_2324 = arith.cmpi sgt, %select_n3A_2302, %sign3A_2323 : i32
        %sign3A_2325 = arith.extui %sign3A_2324 : i1 to i32
        %sign3A_2326 = arith.constant 0 : i32
        %sign3A_2327 = arith.cmpi slt, %select_n3A_2302, %sign3A_2326 : i32
        %sign3A_2328 = arith.extui %sign3A_2327 : i1 to i32
        %sign3A_2329 = arith.subi %sign3A_2325, %sign3A_2328 : i32
        %sign3A_2330 = arith.constant 0 : i32
        %sign3A_2331 = arith.cmpi sgt, %jit3A_2321, %sign3A_2330 : i32
        %sign3A_2332 = arith.extui %sign3A_2331 : i1 to i32
        %sign3A_2333 = arith.constant 0 : i32
        %sign3A_2334 = arith.cmpi slt, %jit3A_2321, %sign3A_2333 : i32
        %sign3A_2335 = arith.extui %sign3A_2334 : i1 to i32
        %sign3A_2336 = arith.subi %sign3A_2332, %sign3A_2335 : i32
        %ne3A_2337 = arith.cmpi ne, %sign3A_2329, %sign3A_2336 : i32
        %rem3A_2338 = arith.remsi %select_n3A_2302, %jit3A_2321 : i32
        %ne3A_2339 = arith.constant 0 : i32
        %ne3A_2340 = arith.cmpi ne, %rem3A_2338, %ne3A_2339 : i32
        %and3A_2341 = arith.andi %ne3A_2337, %ne3A_2340 : i1
        %sub3A_2342 = arith.constant 1 : i32
        %sub3A_2343 = arith.subi %div3A_2322, %sub3A_2342 : i32
        %select_n3A_2344 = arith.select %and3A_2341, %sub3A_2343, %div3A_2322 : i32
        %jit3A_2345 = arith.constant 16 : i32
        %eq3A_2346 = arith.constant 0 : i32
        %eq3A_2347 = arith.cmpi eq, %jit3A_2345, %eq3A_2346 : i32
        %jit3A_2348 = arith.constant 1 : i32
        %select_n3A_2349 = arith.select %eq3A_2347, %jit3A_2348, %jit3A_2345 : i32
        %rem3A_2350 = arith.remsi %select_n3A_2302, %select_n3A_2349 : i32
        %ne3A_2351 = arith.constant 0 : i32
        %ne3A_2352 = arith.cmpi ne, %rem3A_2350, %ne3A_2351 : i32
        %lt3A_2353 = arith.constant 0 : i32
        %lt3A_2354 = arith.cmpi slt, %rem3A_2350, %lt3A_2353 : i32
        %lt3A_2355 = arith.constant 0 : i32
        %lt3A_2356 = arith.cmpi slt, %select_n3A_2349, %lt3A_2355 : i32
        %ne3A_2357 = arith.xori %lt3A_2354, %lt3A_2356 : i1
        %and3A_2358 = arith.andi %ne3A_2357, %ne3A_2352 : i1
        %add3A_2359 = arith.addi %rem3A_2350, %select_n3A_2349 : i32
        %select_n3A_2360 = arith.select %and3A_2358, %add3A_2359, %rem3A_2350 : i32
        %dma_wait3A_2361 = arith.constant 0 : i32
        %dma_wait3A_2362 = tpu.memref_slice %arg3[%select_n3A_2344, %select_n3A_2360, %mul3A_2320, %dma_wait3A_2361] : memref<3x16x512x512xf32, #tpu.memory_space<hbm>> -> memref<1x1x32x512xf32, #tpu.memory_space<hbm>>
        %dma_wait3A_2363 = tpu.memref_squeeze %dma_wait3A_2362 : memref<1x1x32x512xf32, #tpu.memory_space<hbm>> -> memref<32x512xf32, #tpu.memory_space<hbm>>
        %dma_wait3A_2364 = arith.constant 0 : i32
        %dma_wait3A_2365 = tpu.memref_slice %arg3[%select_n3A_2344, %select_n3A_2360, %mul3A_2320, %dma_wait3A_2364] : memref<3x16x512x512xf32, #tpu.memory_space<hbm>> -> memref<1x1x32x512xf32, #tpu.memory_space<hbm>>
        %dma_wait3A_2366 = tpu.memref_squeeze %dma_wait3A_2365 : memref<1x1x32x512xf32, #tpu.memory_space<hbm>> -> memref<32x512xf32, #tpu.memory_space<hbm>>
        tpu.wait_dma2 semaphore(%arg15 : memref<!tpu.dma_semaphore, #tpu.memory_space<semaphore_mem>>) src(%arg7 : memref<32x512xf32, #tpu.memory_space<vmem>>) dst(%dma_wait3A_2366 : memref<32x512xf32, #tpu.memory_space<hbm>>)
        %add3A_2367 = arith.constant 4 : i32
        %add3A_2368 = arith.addi %add3A_825, %add3A_2367 : i32
        %add3A_2369 = arith.constant 3 : i32
        %add3A_2370 = arith.addi %add3A_2368, %add3A_2369 : i32
        %jit3A_2371 = arith.constant 16 : i32
        %div3A_2372 = arith.divsi %add3A_2370, %jit3A_2371 : i32
        %sign3A_2373 = arith.constant 0 : i32
        %sign3A_2374 = arith.cmpi sgt, %add3A_2370, %sign3A_2373 : i32
        %sign3A_2375 = arith.extui %sign3A_2374 : i1 to i32
        %sign3A_2376 = arith.constant 0 : i32
        %sign3A_2377 = arith.cmpi slt, %add3A_2370, %sign3A_2376 : i32
        %sign3A_2378 = arith.extui %sign3A_2377 : i1 to i32
        %sign3A_2379 = arith.subi %sign3A_2375, %sign3A_2378 : i32
        %sign3A_2380 = arith.constant 0 : i32
        %sign3A_2381 = arith.cmpi sgt, %jit3A_2371, %sign3A_2380 : i32
        %sign3A_2382 = arith.extui %sign3A_2381 : i1 to i32
        %sign3A_2383 = arith.constant 0 : i32
        %sign3A_2384 = arith.cmpi slt, %jit3A_2371, %sign3A_2383 : i32
        %sign3A_2385 = arith.extui %sign3A_2384 : i1 to i32
        %sign3A_2386 = arith.subi %sign3A_2382, %sign3A_2385 : i32
        %ne3A_2387 = arith.cmpi ne, %sign3A_2379, %sign3A_2386 : i32
        %rem3A_2388 = arith.remsi %add3A_2370, %jit3A_2371 : i32
        %ne3A_2389 = arith.constant 0 : i32
        %ne3A_2390 = arith.cmpi ne, %rem3A_2388, %ne3A_2389 : i32
        %and3A_2391 = arith.andi %ne3A_2387, %ne3A_2390 : i1
        %sub3A_2392 = arith.constant 1 : i32
        %sub3A_2393 = arith.subi %div3A_2372, %sub3A_2392 : i32
        %select_n3A_2394 = arith.select %and3A_2391, %sub3A_2393, %div3A_2372 : i32
        %jit3A_2395 = arith.constant 16 : i32
        %eq3A_2396 = arith.constant 0 : i32
        %eq3A_2397 = arith.cmpi eq, %jit3A_2395, %eq3A_2396 : i32
        %jit3A_2398 = arith.constant 1 : i32
        %select_n3A_2399 = arith.select %eq3A_2397, %jit3A_2398, %jit3A_2395 : i32
        %rem3A_2400 = arith.remsi %add3A_2370, %select_n3A_2399 : i32
        %ne3A_2401 = arith.constant 0 : i32
        %ne3A_2402 = arith.cmpi ne, %rem3A_2400, %ne3A_2401 : i32
        %lt3A_2403 = arith.constant 0 : i32
        %lt3A_2404 = arith.cmpi slt, %rem3A_2400, %lt3A_2403 : i32
        %lt3A_2405 = arith.constant 0 : i32
        %lt3A_2406 = arith.cmpi slt, %select_n3A_2399, %lt3A_2405 : i32
        %ne3A_2407 = arith.xori %lt3A_2404, %lt3A_2406 : i1
        %and3A_2408 = arith.andi %ne3A_2407, %ne3A_2402 : i1
        %add3A_2409 = arith.addi %rem3A_2400, %select_n3A_2399 : i32
        %select_n3A_2410 = arith.select %and3A_2408, %add3A_2409, %rem3A_2400 : i32
        %mul3A_2411 = arith.constant 32 : i32
        %mul3A_2412 = arith.muli %select_n3A_2410, %mul3A_2411 : i32
        %jit3A_2413 = arith.constant 16 : i32
        %div3A_2414 = arith.divsi %select_n3A_2394, %jit3A_2413 : i32
        %sign3A_2415 = arith.constant 0 : i32
        %sign3A_2416 = arith.cmpi sgt, %select_n3A_2394, %sign3A_2415 : i32
        %sign3A_2417 = arith.extui %sign3A_2416 : i1 to i32
        %sign3A_2418 = arith.constant 0 : i32
        %sign3A_2419 = arith.cmpi slt, %select_n3A_2394, %sign3A_2418 : i32
        %sign3A_2420 = arith.extui %sign3A_2419 : i1 to i32
        %sign3A_2421 = arith.subi %sign3A_2417, %sign3A_2420 : i32
        %sign3A_2422 = arith.constant 0 : i32
        %sign3A_2423 = arith.cmpi sgt, %jit3A_2413, %sign3A_2422 : i32
        %sign3A_2424 = arith.extui %sign3A_2423 : i1 to i32
        %sign3A_2425 = arith.constant 0 : i32
        %sign3A_2426 = arith.cmpi slt, %jit3A_2413, %sign3A_2425 : i32
        %sign3A_2427 = arith.extui %sign3A_2426 : i1 to i32
        %sign3A_2428 = arith.subi %sign3A_2424, %sign3A_2427 : i32
        %ne3A_2429 = arith.cmpi ne, %sign3A_2421, %sign3A_2428 : i32
        %rem3A_2430 = arith.remsi %select_n3A_2394, %jit3A_2413 : i32
        %ne3A_2431 = arith.constant 0 : i32
        %ne3A_2432 = arith.cmpi ne, %rem3A_2430, %ne3A_2431 : i32
        %and3A_2433 = arith.andi %ne3A_2429, %ne3A_2432 : i1
        %sub3A_2434 = arith.constant 1 : i32
        %sub3A_2435 = arith.subi %div3A_2414, %sub3A_2434 : i32
        %select_n3A_2436 = arith.select %and3A_2433, %sub3A_2435, %div3A_2414 : i32
        %jit3A_2437 = arith.constant 16 : i32
        %eq3A_2438 = arith.constant 0 : i32
        %eq3A_2439 = arith.cmpi eq, %jit3A_2437, %eq3A_2438 : i32
        %jit3A_2440 = arith.constant 1 : i32
        %select_n3A_2441 = arith.select %eq3A_2439, %jit3A_2440, %jit3A_2437 : i32
        %rem3A_2442 = arith.remsi %select_n3A_2394, %select_n3A_2441 : i32
        %ne3A_2443 = arith.constant 0 : i32
        %ne3A_2444 = arith.cmpi ne, %rem3A_2442, %ne3A_2443 : i32
        %lt3A_2445 = arith.constant 0 : i32
        %lt3A_2446 = arith.cmpi slt, %rem3A_2442, %lt3A_2445 : i32
        %lt3A_2447 = arith.constant 0 : i32
        %lt3A_2448 = arith.cmpi slt, %select_n3A_2441, %lt3A_2447 : i32
        %ne3A_2449 = arith.xori %lt3A_2446, %lt3A_2448 : i1
        %and3A_2450 = arith.andi %ne3A_2449, %ne3A_2444 : i1
        %add3A_2451 = arith.addi %rem3A_2442, %select_n3A_2441 : i32
        %select_n3A_2452 = arith.select %and3A_2450, %add3A_2451, %rem3A_2442 : i32
        %mul3A_2453 = arith.constant 21 : i32
        %mul3A_2454 = arith.muli %mul3A_2453, %select_n3A_2452 : i32
        %jit3A_2455 = arith.constant 5 : i32
        %div3A_2456 = arith.divsi %mul3A_2454, %jit3A_2455 : i32
        %sign3A_2457 = arith.constant 0 : i32
        %sign3A_2458 = arith.cmpi sgt, %mul3A_2454, %sign3A_2457 : i32
        %sign3A_2459 = arith.extui %sign3A_2458 : i1 to i32
        %sign3A_2460 = arith.constant 0 : i32
        %sign3A_2461 = arith.cmpi slt, %mul3A_2454, %sign3A_2460 : i32
        %sign3A_2462 = arith.extui %sign3A_2461 : i1 to i32
        %sign3A_2463 = arith.subi %sign3A_2459, %sign3A_2462 : i32
        %sign3A_2464 = arith.constant 0 : i32
        %sign3A_2465 = arith.cmpi sgt, %jit3A_2455, %sign3A_2464 : i32
        %sign3A_2466 = arith.extui %sign3A_2465 : i1 to i32
        %sign3A_2467 = arith.constant 0 : i32
        %sign3A_2468 = arith.cmpi slt, %jit3A_2455, %sign3A_2467 : i32
        %sign3A_2469 = arith.extui %sign3A_2468 : i1 to i32
        %sign3A_2470 = arith.subi %sign3A_2466, %sign3A_2469 : i32
        %ne3A_2471 = arith.cmpi ne, %sign3A_2463, %sign3A_2470 : i32
        %rem3A_2472 = arith.remsi %mul3A_2454, %jit3A_2455 : i32
        %ne3A_2473 = arith.constant 0 : i32
        %ne3A_2474 = arith.cmpi ne, %rem3A_2472, %ne3A_2473 : i32
        %and3A_2475 = arith.andi %ne3A_2471, %ne3A_2474 : i1
        %sub3A_2476 = arith.constant 1 : i32
        %sub3A_2477 = arith.subi %div3A_2456, %sub3A_2476 : i32
        %select_n3A_2478 = arith.select %and3A_2475, %sub3A_2477, %div3A_2456 : i32
        %dma_start3A_2479 = arith.constant 0 : i32
        %dma_start3A_2480 = tpu.memref_slice %arg2[%select_n3A_2436, %select_n3A_2478, %mul3A_2412, %dma_start3A_2479] : memref<3x64x512x512xf32, #tpu.memory_space<hbm>> -> memref<1x1x32x512xf32, #tpu.memory_space<hbm>>
        %dma_start3A_2481 = tpu.memref_squeeze %dma_start3A_2480 : memref<1x1x32x512xf32, #tpu.memory_space<hbm>> -> memref<32x512xf32, #tpu.memory_space<hbm>>
        %dma_start3A_2482 = arith.constant 0 : i32
        %dma_start3A_2483 = tpu.memref_slice %arg2[%select_n3A_2436, %select_n3A_2478, %mul3A_2412, %dma_start3A_2482] : memref<3x64x512x512xf32, #tpu.memory_space<hbm>> -> memref<1x1x32x512xf32, #tpu.memory_space<hbm>>
        %dma_start3A_2484 = tpu.memref_squeeze %dma_start3A_2483 : memref<1x1x32x512xf32, #tpu.memory_space<hbm>> -> memref<32x512xf32, #tpu.memory_space<hbm>>
        tpu.enqueue_dma source(%dma_start3A_2484 : memref<32x512xf32, #tpu.memory_space<hbm>>) target(%arg7 : memref<32x512xf32, #tpu.memory_space<vmem>>) target_semaphore(%arg11 : memref<!tpu.dma_semaphore, #tpu.memory_space<semaphore_mem>>)
      } else {
      }
    }
    %scan3A_460 = arith.constant 6 : i32
    %add3A_461 = arith.constant 20 : i32
    %add3A_462 = arith.addi %mul3A_2, %add3A_461 : i32
    %add3A_463 = arith.constant 0 : i32
    %add3A_464 = arith.addi %add3A_462, %add3A_463 : i32
    %jit3A_465 = arith.constant 16 : i32
    %div3A_466 = arith.divsi %add3A_464, %jit3A_465 : i32
    %sign3A_467 = arith.constant 0 : i32
    %sign3A_468 = arith.cmpi sgt, %add3A_464, %sign3A_467 : i32
    %sign3A_469 = arith.extui %sign3A_468 : i1 to i32
    %sign3A_470 = arith.constant 0 : i32
    %sign3A_471 = arith.cmpi slt, %add3A_464, %sign3A_470 : i32
    %sign3A_472 = arith.extui %sign3A_471 : i1 to i32
    %sign3A_473 = arith.subi %sign3A_469, %sign3A_472 : i32
    %sign3A_474 = arith.constant 0 : i32
    %sign3A_475 = arith.cmpi sgt, %jit3A_465, %sign3A_474 : i32
    %sign3A_476 = arith.extui %sign3A_475 : i1 to i32
    %sign3A_477 = arith.constant 0 : i32
    %sign3A_478 = arith.cmpi slt, %jit3A_465, %sign3A_477 : i32
    %sign3A_479 = arith.extui %sign3A_478 : i1 to i32
    %sign3A_480 = arith.subi %sign3A_476, %sign3A_479 : i32
    %ne3A_481 = arith.cmpi ne, %sign3A_473, %sign3A_480 : i32
    %rem3A_482 = arith.remsi %add3A_464, %jit3A_465 : i32
    %ne3A_483 = arith.constant 0 : i32
    %ne3A_484 = arith.cmpi ne, %rem3A_482, %ne3A_483 : i32
    %and3A_485 = arith.andi %ne3A_481, %ne3A_484 : i1
    %sub3A_486 = arith.constant 1 : i32
    %sub3A_487 = arith.subi %div3A_466, %sub3A_486 : i32
    %select_n3A_488 = arith.select %and3A_485, %sub3A_487, %div3A_466 : i32
    %jit3A_489 = arith.constant 16 : i32
    %eq3A_490 = arith.constant 0 : i32
    %eq3A_491 = arith.cmpi eq, %jit3A_489, %eq3A_490 : i32
    %jit3A_492 = arith.constant 1 : i32
    %select_n3A_493 = arith.select %eq3A_491, %jit3A_492, %jit3A_489 : i32
    %rem3A_494 = arith.remsi %add3A_464, %select_n3A_493 : i32
    %ne3A_495 = arith.constant 0 : i32
    %ne3A_496 = arith.cmpi ne, %rem3A_494, %ne3A_495 : i32
    %lt3A_497 = arith.constant 0 : i32
    %lt3A_498 = arith.cmpi slt, %rem3A_494, %lt3A_497 : i32
    %lt3A_499 = arith.constant 0 : i32
    %lt3A_500 = arith.cmpi slt, %select_n3A_493, %lt3A_499 : i32
    %ne3A_501 = arith.xori %lt3A_498, %lt3A_500 : i1
    %and3A_502 = arith.andi %ne3A_501, %ne3A_496 : i1
    %add3A_503 = arith.addi %rem3A_494, %select_n3A_493 : i32
    %select_n3A_504 = arith.select %and3A_502, %add3A_503, %rem3A_494 : i32
    %mul3A_505 = arith.constant 32 : i32
    %mul3A_506 = arith.muli %select_n3A_504, %mul3A_505 : i32
    %jit3A_507 = arith.constant 16 : i32
    %div3A_508 = arith.divsi %select_n3A_488, %jit3A_507 : i32
    %sign3A_509 = arith.constant 0 : i32
    %sign3A_510 = arith.cmpi sgt, %select_n3A_488, %sign3A_509 : i32
    %sign3A_511 = arith.extui %sign3A_510 : i1 to i32
    %sign3A_512 = arith.constant 0 : i32
    %sign3A_513 = arith.cmpi slt, %select_n3A_488, %sign3A_512 : i32
    %sign3A_514 = arith.extui %sign3A_513 : i1 to i32
    %sign3A_515 = arith.subi %sign3A_511, %sign3A_514 : i32
    %sign3A_516 = arith.constant 0 : i32
    %sign3A_517 = arith.cmpi sgt, %jit3A_507, %sign3A_516 : i32
    %sign3A_518 = arith.extui %sign3A_517 : i1 to i32
    %sign3A_519 = arith.constant 0 : i32
    %sign3A_520 = arith.cmpi slt, %jit3A_507, %sign3A_519 : i32
    %sign3A_521 = arith.extui %sign3A_520 : i1 to i32
    %sign3A_522 = arith.subi %sign3A_518, %sign3A_521 : i32
    %ne3A_523 = arith.cmpi ne, %sign3A_515, %sign3A_522 : i32
    %rem3A_524 = arith.remsi %select_n3A_488, %jit3A_507 : i32
    %ne3A_525 = arith.constant 0 : i32
    %ne3A_526 = arith.cmpi ne, %rem3A_524, %ne3A_525 : i32
    %and3A_527 = arith.andi %ne3A_523, %ne3A_526 : i1
    %sub3A_528 = arith.constant 1 : i32
    %sub3A_529 = arith.subi %div3A_508, %sub3A_528 : i32
    %select_n3A_530 = arith.select %and3A_527, %sub3A_529, %div3A_508 : i32
    %jit3A_531 = arith.constant 16 : i32
    %eq3A_532 = arith.constant 0 : i32
    %eq3A_533 = arith.cmpi eq, %jit3A_531, %eq3A_532 : i32
    %jit3A_534 = arith.constant 1 : i32
    %select_n3A_535 = arith.select %eq3A_533, %jit3A_534, %jit3A_531 : i32
    %rem3A_536 = arith.remsi %select_n3A_488, %select_n3A_535 : i32
    %ne3A_537 = arith.constant 0 : i32
    %ne3A_538 = arith.cmpi ne, %rem3A_536, %ne3A_537 : i32
    %lt3A_539 = arith.constant 0 : i32
    %lt3A_540 = arith.cmpi slt, %rem3A_536, %lt3A_539 : i32
    %lt3A_541 = arith.constant 0 : i32
    %lt3A_542 = arith.cmpi slt, %select_n3A_535, %lt3A_541 : i32
    %ne3A_543 = arith.xori %lt3A_540, %lt3A_542 : i1
    %and3A_544 = arith.andi %ne3A_543, %ne3A_538 : i1
    %add3A_545 = arith.addi %rem3A_536, %select_n3A_535 : i32
    %select_n3A_546 = arith.select %and3A_544, %add3A_545, %rem3A_536 : i32
    %dma_wait3A = arith.constant 0 : i32
    %dma_wait3A_547 = tpu.memref_slice %arg3[%select_n3A_530, %select_n3A_546, %mul3A_506, %dma_wait3A] : memref<3x16x512x512xf32, #tpu.memory_space<hbm>> -> memref<1x1x32x512xf32, #tpu.memory_space<hbm>>
    %dma_wait3A_548 = tpu.memref_squeeze %dma_wait3A_547 : memref<1x1x32x512xf32, #tpu.memory_space<hbm>> -> memref<32x512xf32, #tpu.memory_space<hbm>>
    %dma_wait3A_549 = arith.constant 0 : i32
    %dma_wait3A_550 = tpu.memref_slice %arg3[%select_n3A_530, %select_n3A_546, %mul3A_506, %dma_wait3A_549] : memref<3x16x512x512xf32, #tpu.memory_space<hbm>> -> memref<1x1x32x512xf32, #tpu.memory_space<hbm>>
    %dma_wait3A_551 = tpu.memref_squeeze %dma_wait3A_550 : memref<1x1x32x512xf32, #tpu.memory_space<hbm>> -> memref<32x512xf32, #tpu.memory_space<hbm>>
    tpu.wait_dma2 semaphore(%arg12 : memref<!tpu.dma_semaphore, #tpu.memory_space<semaphore_mem>>) src(%arg4 : memref<32x512xf32, #tpu.memory_space<vmem>>) dst(%dma_wait3A_551 : memref<32x512xf32, #tpu.memory_space<hbm>>)
    %add3A_552 = arith.constant 1 : i32
    %add3A_553 = arith.addi %add3A_462, %add3A_552 : i32
    %jit3A_554 = arith.constant 16 : i32
    %div3A_555 = arith.divsi %add3A_553, %jit3A_554 : i32
    %sign3A_556 = arith.constant 0 : i32
    %sign3A_557 = arith.cmpi sgt, %add3A_553, %sign3A_556 : i32
    %sign3A_558 = arith.extui %sign3A_557 : i1 to i32
    %sign3A_559 = arith.constant 0 : i32
    %sign3A_560 = arith.cmpi slt, %add3A_553, %sign3A_559 : i32
    %sign3A_561 = arith.extui %sign3A_560 : i1 to i32
    %sign3A_562 = arith.subi %sign3A_558, %sign3A_561 : i32
    %sign3A_563 = arith.constant 0 : i32
    %sign3A_564 = arith.cmpi sgt, %jit3A_554, %sign3A_563 : i32
    %sign3A_565 = arith.extui %sign3A_564 : i1 to i32
    %sign3A_566 = arith.constant 0 : i32
    %sign3A_567 = arith.cmpi slt, %jit3A_554, %sign3A_566 : i32
    %sign3A_568 = arith.extui %sign3A_567 : i1 to i32
    %sign3A_569 = arith.subi %sign3A_565, %sign3A_568 : i32
    %ne3A_570 = arith.cmpi ne, %sign3A_562, %sign3A_569 : i32
    %rem3A_571 = arith.remsi %add3A_553, %jit3A_554 : i32
    %ne3A_572 = arith.constant 0 : i32
    %ne3A_573 = arith.cmpi ne, %rem3A_571, %ne3A_572 : i32
    %and3A_574 = arith.andi %ne3A_570, %ne3A_573 : i1
    %sub3A_575 = arith.constant 1 : i32
    %sub3A_576 = arith.subi %div3A_555, %sub3A_575 : i32
    %select_n3A_577 = arith.select %and3A_574, %sub3A_576, %div3A_555 : i32
    %jit3A_578 = arith.constant 16 : i32
    %eq3A_579 = arith.constant 0 : i32
    %eq3A_580 = arith.cmpi eq, %jit3A_578, %eq3A_579 : i32
    %jit3A_581 = arith.constant 1 : i32
    %select_n3A_582 = arith.select %eq3A_580, %jit3A_581, %jit3A_578 : i32
    %rem3A_583 = arith.remsi %add3A_553, %select_n3A_582 : i32
    %ne3A_584 = arith.constant 0 : i32
    %ne3A_585 = arith.cmpi ne, %rem3A_583, %ne3A_584 : i32
    %lt3A_586 = arith.constant 0 : i32
    %lt3A_587 = arith.cmpi slt, %rem3A_583, %lt3A_586 : i32
    %lt3A_588 = arith.constant 0 : i32
    %lt3A_589 = arith.cmpi slt, %select_n3A_582, %lt3A_588 : i32
    %ne3A_590 = arith.xori %lt3A_587, %lt3A_589 : i1
    %and3A_591 = arith.andi %ne3A_590, %ne3A_585 : i1
    %add3A_592 = arith.addi %rem3A_583, %select_n3A_582 : i32
    %select_n3A_593 = arith.select %and3A_591, %add3A_592, %rem3A_583 : i32
    %mul3A_594 = arith.constant 32 : i32
    %mul3A_595 = arith.muli %select_n3A_593, %mul3A_594 : i32
    %jit3A_596 = arith.constant 16 : i32
    %div3A_597 = arith.divsi %select_n3A_577, %jit3A_596 : i32
    %sign3A_598 = arith.constant 0 : i32
    %sign3A_599 = arith.cmpi sgt, %select_n3A_577, %sign3A_598 : i32
    %sign3A_600 = arith.extui %sign3A_599 : i1 to i32
    %sign3A_601 = arith.constant 0 : i32
    %sign3A_602 = arith.cmpi slt, %select_n3A_577, %sign3A_601 : i32
    %sign3A_603 = arith.extui %sign3A_602 : i1 to i32
    %sign3A_604 = arith.subi %sign3A_600, %sign3A_603 : i32
    %sign3A_605 = arith.constant 0 : i32
    %sign3A_606 = arith.cmpi sgt, %jit3A_596, %sign3A_605 : i32
    %sign3A_607 = arith.extui %sign3A_606 : i1 to i32
    %sign3A_608 = arith.constant 0 : i32
    %sign3A_609 = arith.cmpi slt, %jit3A_596, %sign3A_608 : i32
    %sign3A_610 = arith.extui %sign3A_609 : i1 to i32
    %sign3A_611 = arith.subi %sign3A_607, %sign3A_610 : i32
    %ne3A_612 = arith.cmpi ne, %sign3A_604, %sign3A_611 : i32
    %rem3A_613 = arith.remsi %select_n3A_577, %jit3A_596 : i32
    %ne3A_614 = arith.constant 0 : i32
    %ne3A_615 = arith.cmpi ne, %rem3A_613, %ne3A_614 : i32
    %and3A_616 = arith.andi %ne3A_612, %ne3A_615 : i1
    %sub3A_617 = arith.constant 1 : i32
    %sub3A_618 = arith.subi %div3A_597, %sub3A_617 : i32
    %select_n3A_619 = arith.select %and3A_616, %sub3A_618, %div3A_597 : i32
    %jit3A_620 = arith.constant 16 : i32
    %eq3A_621 = arith.constant 0 : i32
    %eq3A_622 = arith.cmpi eq, %jit3A_620, %eq3A_621 : i32
    %jit3A_623 = arith.constant 1 : i32
    %select_n3A_624 = arith.select %eq3A_622, %jit3A_623, %jit3A_620 : i32
    %rem3A_625 = arith.remsi %select_n3A_577, %select_n3A_624 : i32
    %ne3A_626 = arith.constant 0 : i32
    %ne3A_627 = arith.cmpi ne, %rem3A_625, %ne3A_626 : i32
    %lt3A_628 = arith.constant 0 : i32
    %lt3A_629 = arith.cmpi slt, %rem3A_625, %lt3A_628 : i32
    %lt3A_630 = arith.constant 0 : i32
    %lt3A_631 = arith.cmpi slt, %select_n3A_624, %lt3A_630 : i32
    %ne3A_632 = arith.xori %lt3A_629, %lt3A_631 : i1
    %and3A_633 = arith.andi %ne3A_632, %ne3A_627 : i1
    %add3A_634 = arith.addi %rem3A_625, %select_n3A_624 : i32
    %select_n3A_635 = arith.select %and3A_633, %add3A_634, %rem3A_625 : i32
    %dma_wait3A_636 = arith.constant 0 : i32
    %dma_wait3A_637 = tpu.memref_slice %arg3[%select_n3A_619, %select_n3A_635, %mul3A_595, %dma_wait3A_636] : memref<3x16x512x512xf32, #tpu.memory_space<hbm>> -> memref<1x1x32x512xf32, #tpu.memory_space<hbm>>
    %dma_wait3A_638 = tpu.memref_squeeze %dma_wait3A_637 : memref<1x1x32x512xf32, #tpu.memory_space<hbm>> -> memref<32x512xf32, #tpu.memory_space<hbm>>
    %dma_wait3A_639 = arith.constant 0 : i32
    %dma_wait3A_640 = tpu.memref_slice %arg3[%select_n3A_619, %select_n3A_635, %mul3A_595, %dma_wait3A_639] : memref<3x16x512x512xf32, #tpu.memory_space<hbm>> -> memref<1x1x32x512xf32, #tpu.memory_space<hbm>>
    %dma_wait3A_641 = tpu.memref_squeeze %dma_wait3A_640 : memref<1x1x32x512xf32, #tpu.memory_space<hbm>> -> memref<32x512xf32, #tpu.memory_space<hbm>>
    tpu.wait_dma2 semaphore(%arg13 : memref<!tpu.dma_semaphore, #tpu.memory_space<semaphore_mem>>) src(%arg5 : memref<32x512xf32, #tpu.memory_space<vmem>>) dst(%dma_wait3A_641 : memref<32x512xf32, #tpu.memory_space<hbm>>)
    %add3A_642 = arith.constant 2 : i32
    %add3A_643 = arith.addi %add3A_462, %add3A_642 : i32
    %jit3A_644 = arith.constant 16 : i32
    %div3A_645 = arith.divsi %add3A_643, %jit3A_644 : i32
    %sign3A_646 = arith.constant 0 : i32
    %sign3A_647 = arith.cmpi sgt, %add3A_643, %sign3A_646 : i32
    %sign3A_648 = arith.extui %sign3A_647 : i1 to i32
    %sign3A_649 = arith.constant 0 : i32
    %sign3A_650 = arith.cmpi slt, %add3A_643, %sign3A_649 : i32
    %sign3A_651 = arith.extui %sign3A_650 : i1 to i32
    %sign3A_652 = arith.subi %sign3A_648, %sign3A_651 : i32
    %sign3A_653 = arith.constant 0 : i32
    %sign3A_654 = arith.cmpi sgt, %jit3A_644, %sign3A_653 : i32
    %sign3A_655 = arith.extui %sign3A_654 : i1 to i32
    %sign3A_656 = arith.constant 0 : i32
    %sign3A_657 = arith.cmpi slt, %jit3A_644, %sign3A_656 : i32
    %sign3A_658 = arith.extui %sign3A_657 : i1 to i32
    %sign3A_659 = arith.subi %sign3A_655, %sign3A_658 : i32
    %ne3A_660 = arith.cmpi ne, %sign3A_652, %sign3A_659 : i32
    %rem3A_661 = arith.remsi %add3A_643, %jit3A_644 : i32
    %ne3A_662 = arith.constant 0 : i32
    %ne3A_663 = arith.cmpi ne, %rem3A_661, %ne3A_662 : i32
    %and3A_664 = arith.andi %ne3A_660, %ne3A_663 : i1
    %sub3A_665 = arith.constant 1 : i32
    %sub3A_666 = arith.subi %div3A_645, %sub3A_665 : i32
    %select_n3A_667 = arith.select %and3A_664, %sub3A_666, %div3A_645 : i32
    %jit3A_668 = arith.constant 16 : i32
    %eq3A_669 = arith.constant 0 : i32
    %eq3A_670 = arith.cmpi eq, %jit3A_668, %eq3A_669 : i32
    %jit3A_671 = arith.constant 1 : i32
    %select_n3A_672 = arith.select %eq3A_670, %jit3A_671, %jit3A_668 : i32
    %rem3A_673 = arith.remsi %add3A_643, %select_n3A_672 : i32
    %ne3A_674 = arith.constant 0 : i32
    %ne3A_675 = arith.cmpi ne, %rem3A_673, %ne3A_674 : i32
    %lt3A_676 = arith.constant 0 : i32
    %lt3A_677 = arith.cmpi slt, %rem3A_673, %lt3A_676 : i32
    %lt3A_678 = arith.constant 0 : i32
    %lt3A_679 = arith.cmpi slt, %select_n3A_672, %lt3A_678 : i32
    %ne3A_680 = arith.xori %lt3A_677, %lt3A_679 : i1
    %and3A_681 = arith.andi %ne3A_680, %ne3A_675 : i1
    %add3A_682 = arith.addi %rem3A_673, %select_n3A_672 : i32
    %select_n3A_683 = arith.select %and3A_681, %add3A_682, %rem3A_673 : i32
    %mul3A_684 = arith.constant 32 : i32
    %mul3A_685 = arith.muli %select_n3A_683, %mul3A_684 : i32
    %jit3A_686 = arith.constant 16 : i32
    %div3A_687 = arith.divsi %select_n3A_667, %jit3A_686 : i32
    %sign3A_688 = arith.constant 0 : i32
    %sign3A_689 = arith.cmpi sgt, %select_n3A_667, %sign3A_688 : i32
    %sign3A_690 = arith.extui %sign3A_689 : i1 to i32
    %sign3A_691 = arith.constant 0 : i32
    %sign3A_692 = arith.cmpi slt, %select_n3A_667, %sign3A_691 : i32
    %sign3A_693 = arith.extui %sign3A_692 : i1 to i32
    %sign3A_694 = arith.subi %sign3A_690, %sign3A_693 : i32
    %sign3A_695 = arith.constant 0 : i32
    %sign3A_696 = arith.cmpi sgt, %jit3A_686, %sign3A_695 : i32
    %sign3A_697 = arith.extui %sign3A_696 : i1 to i32
    %sign3A_698 = arith.constant 0 : i32
    %sign3A_699 = arith.cmpi slt, %jit3A_686, %sign3A_698 : i32
    %sign3A_700 = arith.extui %sign3A_699 : i1 to i32
    %sign3A_701 = arith.subi %sign3A_697, %sign3A_700 : i32
    %ne3A_702 = arith.cmpi ne, %sign3A_694, %sign3A_701 : i32
    %rem3A_703 = arith.remsi %select_n3A_667, %jit3A_686 : i32
    %ne3A_704 = arith.constant 0 : i32
    %ne3A_705 = arith.cmpi ne, %rem3A_703, %ne3A_704 : i32
    %and3A_706 = arith.andi %ne3A_702, %ne3A_705 : i1
    %sub3A_707 = arith.constant 1 : i32
    %sub3A_708 = arith.subi %div3A_687, %sub3A_707 : i32
    %select_n3A_709 = arith.select %and3A_706, %sub3A_708, %div3A_687 : i32
    %jit3A_710 = arith.constant 16 : i32
    %eq3A_711 = arith.constant 0 : i32
    %eq3A_712 = arith.cmpi eq, %jit3A_710, %eq3A_711 : i32
    %jit3A_713 = arith.constant 1 : i32
    %select_n3A_714 = arith.select %eq3A_712, %jit3A_713, %jit3A_710 : i32
    %rem3A_715 = arith.remsi %select_n3A_667, %select_n3A_714 : i32
    %ne3A_716 = arith.constant 0 : i32
    %ne3A_717 = arith.cmpi ne, %rem3A_715, %ne3A_716 : i32
    %lt3A_718 = arith.constant 0 : i32
    %lt3A_719 = arith.cmpi slt, %rem3A_715, %lt3A_718 : i32
    %lt3A_720 = arith.constant 0 : i32
    %lt3A_721 = arith.cmpi slt, %select_n3A_714, %lt3A_720 : i32
    %ne3A_722 = arith.xori %lt3A_719, %lt3A_721 : i1
    %and3A_723 = arith.andi %ne3A_722, %ne3A_717 : i1
    %add3A_724 = arith.addi %rem3A_715, %select_n3A_714 : i32
    %select_n3A_725 = arith.select %and3A_723, %add3A_724, %rem3A_715 : i32
    %dma_wait3A_726 = arith.constant 0 : i32
    %dma_wait3A_727 = tpu.memref_slice %arg3[%select_n3A_709, %select_n3A_725, %mul3A_685, %dma_wait3A_726] : memref<3x16x512x512xf32, #tpu.memory_space<hbm>> -> memref<1x1x32x512xf32, #tpu.memory_space<hbm>>
    %dma_wait3A_728 = tpu.memref_squeeze %dma_wait3A_727 : memref<1x1x32x512xf32, #tpu.memory_space<hbm>> -> memref<32x512xf32, #tpu.memory_space<hbm>>
    %dma_wait3A_729 = arith.constant 0 : i32
    %dma_wait3A_730 = tpu.memref_slice %arg3[%select_n3A_709, %select_n3A_725, %mul3A_685, %dma_wait3A_729] : memref<3x16x512x512xf32, #tpu.memory_space<hbm>> -> memref<1x1x32x512xf32, #tpu.memory_space<hbm>>
    %dma_wait3A_731 = tpu.memref_squeeze %dma_wait3A_730 : memref<1x1x32x512xf32, #tpu.memory_space<hbm>> -> memref<32x512xf32, #tpu.memory_space<hbm>>
    tpu.wait_dma2 semaphore(%arg14 : memref<!tpu.dma_semaphore, #tpu.memory_space<semaphore_mem>>) src(%arg6 : memref<32x512xf32, #tpu.memory_space<vmem>>) dst(%dma_wait3A_731 : memref<32x512xf32, #tpu.memory_space<hbm>>)
    %add3A_732 = arith.constant 3 : i32
    %add3A_733 = arith.addi %add3A_462, %add3A_732 : i32
    %jit3A_734 = arith.constant 16 : i32
    %div3A_735 = arith.divsi %add3A_733, %jit3A_734 : i32
    %sign3A_736 = arith.constant 0 : i32
    %sign3A_737 = arith.cmpi sgt, %add3A_733, %sign3A_736 : i32
    %sign3A_738 = arith.extui %sign3A_737 : i1 to i32
    %sign3A_739 = arith.constant 0 : i32
    %sign3A_740 = arith.cmpi slt, %add3A_733, %sign3A_739 : i32
    %sign3A_741 = arith.extui %sign3A_740 : i1 to i32
    %sign3A_742 = arith.subi %sign3A_738, %sign3A_741 : i32
    %sign3A_743 = arith.constant 0 : i32
    %sign3A_744 = arith.cmpi sgt, %jit3A_734, %sign3A_743 : i32
    %sign3A_745 = arith.extui %sign3A_744 : i1 to i32
    %sign3A_746 = arith.constant 0 : i32
    %sign3A_747 = arith.cmpi slt, %jit3A_734, %sign3A_746 : i32
    %sign3A_748 = arith.extui %sign3A_747 : i1 to i32
    %sign3A_749 = arith.subi %sign3A_745, %sign3A_748 : i32
    %ne3A_750 = arith.cmpi ne, %sign3A_742, %sign3A_749 : i32
    %rem3A_751 = arith.remsi %add3A_733, %jit3A_734 : i32
    %ne3A_752 = arith.constant 0 : i32
    %ne3A_753 = arith.cmpi ne, %rem3A_751, %ne3A_752 : i32
    %and3A_754 = arith.andi %ne3A_750, %ne3A_753 : i1
    %sub3A_755 = arith.constant 1 : i32
    %sub3A_756 = arith.subi %div3A_735, %sub3A_755 : i32
    %select_n3A_757 = arith.select %and3A_754, %sub3A_756, %div3A_735 : i32
    %jit3A_758 = arith.constant 16 : i32
    %eq3A_759 = arith.constant 0 : i32
    %eq3A_760 = arith.cmpi eq, %jit3A_758, %eq3A_759 : i32
    %jit3A_761 = arith.constant 1 : i32
    %select_n3A_762 = arith.select %eq3A_760, %jit3A_761, %jit3A_758 : i32
    %rem3A_763 = arith.remsi %add3A_733, %select_n3A_762 : i32
    %ne3A_764 = arith.constant 0 : i32
    %ne3A_765 = arith.cmpi ne, %rem3A_763, %ne3A_764 : i32
    %lt3A_766 = arith.constant 0 : i32
    %lt3A_767 = arith.cmpi slt, %rem3A_763, %lt3A_766 : i32
    %lt3A_768 = arith.constant 0 : i32
    %lt3A_769 = arith.cmpi slt, %select_n3A_762, %lt3A_768 : i32
    %ne3A_770 = arith.xori %lt3A_767, %lt3A_769 : i1
    %and3A_771 = arith.andi %ne3A_770, %ne3A_765 : i1
    %add3A_772 = arith.addi %rem3A_763, %select_n3A_762 : i32
    %select_n3A_773 = arith.select %and3A_771, %add3A_772, %rem3A_763 : i32
    %mul3A_774 = arith.constant 32 : i32
    %mul3A_775 = arith.muli %select_n3A_773, %mul3A_774 : i32
    %jit3A_776 = arith.constant 16 : i32
    %div3A_777 = arith.divsi %select_n3A_757, %jit3A_776 : i32
    %sign3A_778 = arith.constant 0 : i32
    %sign3A_779 = arith.cmpi sgt, %select_n3A_757, %sign3A_778 : i32
    %sign3A_780 = arith.extui %sign3A_779 : i1 to i32
    %sign3A_781 = arith.constant 0 : i32
    %sign3A_782 = arith.cmpi slt, %select_n3A_757, %sign3A_781 : i32
    %sign3A_783 = arith.extui %sign3A_782 : i1 to i32
    %sign3A_784 = arith.subi %sign3A_780, %sign3A_783 : i32
    %sign3A_785 = arith.constant 0 : i32
    %sign3A_786 = arith.cmpi sgt, %jit3A_776, %sign3A_785 : i32
    %sign3A_787 = arith.extui %sign3A_786 : i1 to i32
    %sign3A_788 = arith.constant 0 : i32
    %sign3A_789 = arith.cmpi slt, %jit3A_776, %sign3A_788 : i32
    %sign3A_790 = arith.extui %sign3A_789 : i1 to i32
    %sign3A_791 = arith.subi %sign3A_787, %sign3A_790 : i32
    %ne3A_792 = arith.cmpi ne, %sign3A_784, %sign3A_791 : i32
    %rem3A_793 = arith.remsi %select_n3A_757, %jit3A_776 : i32
    %ne3A_794 = arith.constant 0 : i32
    %ne3A_795 = arith.cmpi ne, %rem3A_793, %ne3A_794 : i32
    %and3A_796 = arith.andi %ne3A_792, %ne3A_795 : i1
    %sub3A_797 = arith.constant 1 : i32
    %sub3A_798 = arith.subi %div3A_777, %sub3A_797 : i32
    %select_n3A_799 = arith.select %and3A_796, %sub3A_798, %div3A_777 : i32
    %jit3A_800 = arith.constant 16 : i32
    %eq3A_801 = arith.constant 0 : i32
    %eq3A_802 = arith.cmpi eq, %jit3A_800, %eq3A_801 : i32
    %jit3A_803 = arith.constant 1 : i32
    %select_n3A_804 = arith.select %eq3A_802, %jit3A_803, %jit3A_800 : i32
    %rem3A_805 = arith.remsi %select_n3A_757, %select_n3A_804 : i32
    %ne3A_806 = arith.constant 0 : i32
    %ne3A_807 = arith.cmpi ne, %rem3A_805, %ne3A_806 : i32
    %lt3A_808 = arith.constant 0 : i32
    %lt3A_809 = arith.cmpi slt, %rem3A_805, %lt3A_808 : i32
    %lt3A_810 = arith.constant 0 : i32
    %lt3A_811 = arith.cmpi slt, %select_n3A_804, %lt3A_810 : i32
    %ne3A_812 = arith.xori %lt3A_809, %lt3A_811 : i1
    %and3A_813 = arith.andi %ne3A_812, %ne3A_807 : i1
    %add3A_814 = arith.addi %rem3A_805, %select_n3A_804 : i32
    %select_n3A_815 = arith.select %and3A_813, %add3A_814, %rem3A_805 : i32
    %dma_wait3A_816 = arith.constant 0 : i32
    %dma_wait3A_817 = tpu.memref_slice %arg3[%select_n3A_799, %select_n3A_815, %mul3A_775, %dma_wait3A_816] : memref<3x16x512x512xf32, #tpu.memory_space<hbm>> -> memref<1x1x32x512xf32, #tpu.memory_space<hbm>>
    %dma_wait3A_818 = tpu.memref_squeeze %dma_wait3A_817 : memref<1x1x32x512xf32, #tpu.memory_space<hbm>> -> memref<32x512xf32, #tpu.memory_space<hbm>>
    %dma_wait3A_819 = arith.constant 0 : i32
    %dma_wait3A_820 = tpu.memref_slice %arg3[%select_n3A_799, %select_n3A_815, %mul3A_775, %dma_wait3A_819] : memref<3x16x512x512xf32, #tpu.memory_space<hbm>> -> memref<1x1x32x512xf32, #tpu.memory_space<hbm>>
    %dma_wait3A_821 = tpu.memref_squeeze %dma_wait3A_820 : memref<1x1x32x512xf32, #tpu.memory_space<hbm>> -> memref<32x512xf32, #tpu.memory_space<hbm>>
    tpu.wait_dma2 semaphore(%arg15 : memref<!tpu.dma_semaphore, #tpu.memory_space<semaphore_mem>>) src(%arg7 : memref<32x512xf32, #tpu.memory_space<vmem>>) dst(%dma_wait3A_821 : memref<32x512xf32, #tpu.memory_space<hbm>>)
    return
  }
}

module attributes {stable_mosaic.version = 14 : i64} {
  func.func @_copy_body(%arg0: i32, %arg1: memref<3x2x512x512xf32, #tpu.memory_space<vmem>>, %arg2: memref<3x2x512x512xf32, #tpu.memory_space<vmem>>) attributes {dimension_semantics = [#tpu.dimension_semantics<arbitrary>], iteration_bounds = array<i64: 32>, scalar_prefetch = 0 : i64, scratch_operands = 0 : i64, tpu.core_type = #tpu.core_type<tc>, window_params = [{transform_indices = @transform_0, window_bounds = array<i64: 3, 2, 512, 512>}, {transform_indices = @transform_1, window_bounds = array<i64: 3, 2, 512, 512>}]} {
    %get3A = arith.constant 0 : index
    %get3A_0 = arith.constant 0 : index
    %get3A_1 = arith.constant 0 : index
    %get3A_2 = arith.constant 0 : index
    %get3A_3 = vector.load %arg1[%get3A, %get3A_0, %get3A_1, %get3A_2] : memref<3x2x512x512xf32, #tpu.memory_space<vmem>>, vector<3x2x512x512xf32>
    %swap3A = arith.constant 0 : index
    %swap3A_4 = arith.constant 0 : index
    %swap3A_5 = arith.constant 0 : index
    %swap3A_6 = arith.constant 0 : index
    %swap3A_7 = vector.load %arg2[%swap3A, %swap3A_4, %swap3A_5, %swap3A_6] : memref<3x2x512x512xf32, #tpu.memory_space<vmem>>, vector<3x2x512x512xf32>
    tpu.vector_store %arg2[%swap3A, %swap3A_4, %swap3A_5, %swap3A_6], %get3A_3 {strides = array<i32>} : memref<3x2x512x512xf32, #tpu.memory_space<vmem>>, vector<3x2x512x512xf32>,
    return
  }
  func.func @transform_0(%arg0: i32) -> (i32, i32, i32, i32) {
    %c0_i32 = arith.constant 0 : i32
    %c0_i32_0 = arith.constant 0 : i32
    %c0_i32_1 = arith.constant 0 : i32
    %c0_i32_2 = arith.constant 0 : i32
    return %c0_i32, %arg0, %c0_i32_0, %c0_i32_1 : i32, i32, i32, i32
  }
  func.func @transform_1(%arg0: i32) -> (i32, i32, i32, i32) {
    %c0_i32 = arith.constant 0 : i32
    %c0_i32_0 = arith.constant 0 : i32
    %c0_i32_1 = arith.constant 0 : i32
    %c0_i32_2 = arith.constant 0 : i32
    return %c0_i32, %arg0, %c0_i32_0, %c0_i32_1 : i32, i32, i32, i32
  }
}

</mosaic_0001>

<sc_bundles>
// kernel: kernel.4.cloned.1.call-start
scs
__scs_entry_jumppad:
0x0: {  	(pc) =	sbr.rel $0x88, $3  }
0x1: {  	(tag) =	ssettag $0x0;
	lr =	simm.s32 $0x1  }
0x2: {  	[smem:$0x3FA0] =	sst lr;
	_ =	strace $0xD0000000  }
0x3: {  	_ = 	snop  }
0x4: {  	_ = 	snop  }
0x5: {  	_ = 	snop  }
0x6: {  	_ = 	snop  }
0x7: {  	_ = 	snop  }
__scs_overlays_trampoline_lowered:
0x8: {  	[smem:$0x3FAF] =	sst s0  }
0x9: {  	[smem:$0x3FB0] =	sst s1  }
0xa: {  	[smem:$0x3FB1] =	sst s2  }
0xb: {  	[smem:$0x3FB2] =	sst s3  }
0xc: {  	[smem:$0x3FB3] =	sst s4  }
0xd: {  	[smem:$0x3FB4] =	sst s5  }
0xe: {  	[smem:$0x3FB5] =	sst s6  }
0xf: {  	[smem:$0x3FB6] =	sst s7  }
0x10: {  	[smem:$0x3FB7] =	sst s8  }
0x11: {  	[smem:$0x3FB8] =	sst s9;
	s0 =	simm.s32 @!p0 $0x0  }
0x12: {  	s1 =	sld [smem:$0x3F9E];
	s0 =	simm.s32 @p0 $0x1  }
0x13: {  	[smem:$0x3FB9] =	sst s0;
	s0 =	simm.s32 @!p1 $0x0  }
0x14: {  	s2 =	sld [smem:$0x3F9D];
	s0 =	simm.s32 @p1 $0x1  }
0x15: {  	[smem:$0x3FBA] =	sst s0;
	s0 =	simm.s32 @!p2 $0x0  }
0x16: {  	s3 =	sld [smem:$0x3FDB];
	s0 =	simm.s32 @p2 $0x1  }
0x17: {  	s4 =	simm.s32 $0x1BF5;
	[smem:$0x3FBC] =	sst s0  }
0x18: {  	s0 =	sld [smem:$0x3F9F];
	_ =	swait.ge [sflag:s4], $0x0  }
0x19: {  	s7 =	sld [smem:$0x3FA0]  }
0x1a: {  	s8 =	sadd.s32 $0xFFFFE003, lr  }
0x1b: {  	s9 =	sadd.s32 $0xFFFFFEF7, lr;
	s5 =	simm.s32 $0xFFFFFFFF;
	p2 =	slt.u32 s8, $0xFFFFF086  }
0x1c: {  	p1 =	slt.u32 s9, $0xF7A;
	s5 =	simm.s32 @!p2 $0x0  }
0x1d: {  	s5 =	simm.s32 @p1 $0x1;
	p0 =	seq.s32 s7, s2  }
0x1e: {  	s7 =	smul.u32 @!p0 $0xF7A, s2;
	p2 =	seq.s32 @!p0 s5, $0x0  }
0x1f: {  	s9 =	smul.u32 $0xF7A, s1;
	s8 =	simm.s32 @!p0 $0x1BF5;
	p2 =	por !p2, p0  }
0x20: {  	[sflag:s8] =	ssyncset.s32 @!p0 $0xFFFFF086;
	s6 =	sadd.s32 @!p0 s3, s7;
	s7 =	simm.s32 @!p0 $0x108  }
0x21: {  	s3 =	sadd.s32 s3, s9;
	s6 =	sadd.s32 @!p0 $0x88, s6;
	s7 =	simm.s32 @p2 $0x1082  }
0x22: {  	[simem:s7], [sflag:s8] =	dma.local @!p0 [hbm:s6], $0xF7A  }
0x23: {  	s9 =	sor.u32 $0xD0000000, s2;
	s6 =	simm.s32 $0x108;
	_ =	swait.ge @!p0 [sflag:s8], $0x0  }
0x24: {  	s3 =	sadd.s32 $0x88, s3;
	s6 =	simm.s32 @!p1 $0x1082;
	[sflag:s4] =	ssyncset.s32 $0xFFFFF086  }
0x25: {  	[simem:s6], [sflag:s4] =	dma.local [hbm:s3], $0xF7A  }
0x26: {  	[smem:$0x3FA0] =	sst s1;
	(tag) =	ssettag s2;
	_ =	strace s9  }
0x27: {  	s1 =	sld [smem:$0x3FB0]  }
0x28: {  	s2 =	sld [smem:$0x3FB1]  }
0x29: {  	s4 =	sld [smem:$0x3FB3]  }
0x2a: {  	p0 =	seq.s32 s5, $0x0;
	s5 =	sld [smem:$0x3FB4]  }
0x2b: {  	s6 =	sld [smem:$0x3FB5]  }
0x2c: {  	s7 =	sld [smem:$0x3FB6]  }
0x2d: {  	s3 =	simm.s32 $0x108;
	s8 =	sld [smem:$0x3FB7]  }
0x2e: {  	s3 =	simm.s32 @!p0 $0x1082;
	s9 =	sld [smem:$0x3FB8]  }
0x2f: {  	lr =	sadd.s32 s0, s3;
	s0 =	sld [smem:$0x3FAF]  }
0x30: {  	s3 =	sld [smem:$0x3FB2]  }
0x31: {  	[smem:$0x3FBB] =	sst s10  }
0x32: {  	s10 =	sld [smem:$0x3FB9];
	_ =	sdelay $0x3  }
0x33: {  	p0 =	seq.s32 s10, $0x1;
	s10 =	sld [smem:$0x3FBB];
	_ =	sdelay $0x3  }
0x34: {  	[smem:$0x3FBB] =	sst s10  }
0x35: {  	s10 =	sld [smem:$0x3FBA];
	_ =	sdelay $0x3  }
0x36: {  	p1 =	seq.s32 s10, $0x1;
	s10 =	sld [smem:$0x3FBB];
	_ =	sdelay $0x3  }
0x37: {  	[smem:$0x3FBB] =	sst s10  }
0x38: {  	s10 =	sld [smem:$0x3FBC]  }
0x39: {  	_ = 	snop;
	(pc) =	sbr.ind lr, $3  }
0x3a: {  	_ = 	snop  }
0x3b: {  	_ = 	snop  }
0x3c: {  	p2 =	seq.s32 s10, $0x1;
	s10 =	sld [smem:$0x3FBB]  }
0x3d: {  	_ =	shalt  }
0x3e: {  	_ =	shalt  }
0x3f: {  	_ =	shalt  }
0x40: {  	_ =	shalt  }
0x41: {  	_ =	shalt  }
0x42: {  	_ =	shalt  }
0x43: {  	_ =	shalt  }
0x44: {  	_ =	shalt  }
0x45: {  	_ =	shalt  }
0x46: {  	_ =	shalt  }
0x47: {  	_ =	shalt  }
0x48: {  	_ =	shalt  }
0x49: {  	_ =	shalt  }
0x4a: {  	_ =	shalt  }
0x4b: {  	_ =	shalt  }
0x4c: {  	_ =	shalt  }
0x4d: {  	_ =	shalt  }
0x4e: {  	_ =	shalt  }
0x4f: {  	_ =	shalt  }
0x50: {  	_ =	shalt  }
0x51: {  	_ =	shalt  }
0x52: {  	_ =	shalt  }
0x53: {  	_ =	shalt  }
0x54: {  	_ =	shalt  }
0x55: {  	_ =	shalt  }
0x56: {  	_ =	shalt  }
0x57: {  	_ =	shalt  }
0x58: {  	_ =	shalt  }
0x59: {  	_ =	shalt  }
0x5a: {  	_ =	shalt  }
0x5b: {  	_ =	shalt  }
0x5c: {  	_ =	shalt  }
0x5d: {  	_ =	shalt  }
0x5e: {  	_ =	shalt  }
0x5f: {  	_ =	shalt  }
0x60: {  	_ =	shalt  }
0x61: {  	_ =	shalt  }
0x62: {  	_ =	shalt  }
0x63: {  	_ =	shalt  }
0x64: {  	_ =	shalt  }
0x65: {  	_ =	shalt  }
0x66: {  	_ =	shalt  }
0x67: {  	_ =	shalt  }
0x68: {  	_ =	shalt  }
0x69: {  	_ =	shalt  }
0x6a: {  	_ =	shalt  }
0x6b: {  	_ =	shalt  }
0x6c: {  	_ =	shalt  }
0x6d: {  	_ =	shalt  }
0x6e: {  	_ =	shalt  }
0x6f: {  	_ =	shalt  }
0x70: {  	_ =	shalt  }
0x71: {  	_ =	shalt  }
0x72: {  	_ =	shalt  }
0x73: {  	_ =	shalt  }
0x74: {  	_ =	shalt  }
0x75: {  	_ =	shalt  }
0x76: {  	_ =	shalt  }
0x77: {  	_ =	shalt  }
0x78: {  	_ =	shalt  }
0x79: {  	_ =	shalt  }
0x7a: {  	_ =	shalt  }
0x7b: {  	_ =	shalt  }
0x7c: {  	_ =	shalt  }
0x7d: {  	_ =	shalt  }
0x7e: {  	_ =	shalt  }
0x7f: {  	_ =	shalt  }
0x80: {  	_ =	shalt  }
0x81: {  	_ =	shalt  }
0x82: {  	_ =	shalt  }
0x83: {  	_ =	shalt  }
0x84: {  	_ =	shalt  }
0x85: {  	_ =	shalt  }
0x86: {  	_ =	shalt  }
0x87: {  	_ =	shalt  }
.Lfunc_end0:
.L_simem_size_0:
called_computation_lowered:
.L_overlay_start_0:
0x88: {  	s2 =	sld [smem:$0x3FD9]  }
0x89: {  	s3 =	sld [smem:$0x3FFE];
	_ =	sdelay $0x1  }
0x8a: {  	s1 =	srdreg.scid  }
0x8b: {  	s0 =	sand.u32 $0x1, s1  }
0x8c: {  	s15 =	sshll.u32 s0, $0xA;
	s2 =	sadd.s32 s3, s2  }
0x8d: {  	s2 =	sadd.s32 s2, s15  }
0x8e: {  	[smem:$0x3FC7] =	sst s2  }
0x8f: {  	_ = 	snop  }
0x90: {  	s2 =	sld [smem:$0x3FD0];
	_ =	sdelay $0x2  }
0x91: {  	s4 =	simm.s32 $0xA;
	s5 =	simm.s32 $0x10;
	s16 =	sld [smem:$0x3FC9]  }
0x92: {  	[smem:s5], [sflag:s4] =	dma.local [hbm:s2], $0x1  }
0x93: {  	_ =	swait.eq [sflag:s4], $0x1  }
0x94: {  	[sflag:s4] =	ssyncset.done $0x0  }
0x95: {  	[sflag:s4] =	ssyncadd.s32 $0xFFFFFFFF  }
0x96: {  	s17 =	sld [smem:$0x10];
	(tm) =	ssettm $0x1  }
0x97: {  	s18 =	sld [smem:$0x3FFB];
	_ =	sdelay $0x3  }
0x98: {  	_ =	strace s18  }
0x99: {  	s4 =	sld [smem:$0x3FFC];
	_ =	sdelay $0x3  }
0x9a: {  	_ =	strace s4  }
0x9b: {  	s4 =	sld [smem:$0x3FFD];
	_ =	sdelay $0x3  }
0x9c: {  	_ =	strace s4  }
0x9d: {  	_ =	strace $0x8FFFFFFF  }
0x9e: {  	s19 =	sld [smem:$0x3FDB];
	_ =	sdelay $0x1  }
0x9f: {  	s20 =	simm.s32 $_scs_section_size  }
0xa0: {  	s6 =	simm.s32 $_size__tile_overlayer_lowered;
	s7 =	simm.s32 $_tile_overlayer_lowered  }
0xa1: {  	s23 =	simm.s32 $0x1BFF;
	s22 =	sshll.u32 s7, $0x1;
	s4 =	sadd.s32 s20, s19  }
0xa2: {  	s8 =	simm.s32 $0x0;
	s21 =	sshll.u32 s6, $0x1;
	s6 =	sadd.s32 s22, s4  }
0xa3: {  	[timem:s8], [sflag:s23] =	dma.local [hbm:s6], s21  }
0xa4: {  	_ =	swait.ge [sflag:s23], s21  }
0xa5: {  	s5 =	ssub.s32 $0x0, s21;
	[sflag:s23] =	ssyncset.done $0x0  }
0xa6: {  	[sflag:s23] =	ssyncadd.s32 s5;
	_ =	sdelay $0x1  }
0xa7: {  	s24 =	simm.s32 $0x1B8B  }
0xa8: {  	_ =	swait.ge [sflag:s24], $0x1  }
0xa9: {  	[sflag:s24] =	ssyncset.done $0x0  }
0xaa: {  	s25 =	simm.s32 $0x1B8E;
	[sflag:s24] =	ssyncadd.s32 $0xFFFFFFFF  }
0xab: {  	s26 =	simm.s32 $execute0_lowered;
	[smem:$0x3FD2] =	sst s25  }
0xac: {  	s5 =	sshll.u32 s26, $0x1;
	_ =	strace $0x80000046;
	[dreg:$0x1] =	wrdreg $0xFFFFFFFF  }
0xad: {  	s28 =	simm.s32 $_size_execute0_lowered;
	s4 =	sadd.s32 s4, s5;
	[dreg:$0x0] =	wrdreg $0x0  }
0xae: {  	s5 =	sshll.u32 s28, $0x1;
	[dreg:$0x2] =	wrdreg s4  }
0xaf: {  	[dreg:$0x3] =	wrdreg s5  }
0xb0: {  	[dreg:$0x4] =	wrdreg $0xC0  }
0xb1: {  	_ =	task [dreg:s8], $0x5FFFF  }
0xb2: {  	[dreg:$0x1] =	wrdreg $0xFFFFFFFF  }
0xb3: {  	[dreg:$0x0] =	wrdreg $0x60  }
0xb4: {  	[dreg:$0x2] =	wrdreg s16  }
0xb5: {  	[dreg:$0x3] =	wrdreg s17  }
0xb6: {  	[dreg:$0x4] =	wrdreg $0x9  }
0xb7: {  	_ =	task.clear_ibuf [dreg:s8], $0x5FFFF;
	_ =	strace $0x90000046  }
0xb8: {  	s29 =	simm.s32 $0x9;
	_ =	strace $0x80000048  }
0xb9: {  	_ =	swait.ge [sflag:s29], $0x1  }
0xba: {  	[sflag:s29] =	ssyncadd.s32 $0xFFFFFFFF  }
0xbb: {  	_ =	strace $0x90000048  }
0xbc: {  	_ =	sfence  }
0xbd: {  	s30 =	sld [smem:$0x0];
	_ =	sdelay $0x2  }
0xbe: {  	s31 =	sshll.u32 s1, $0xD;
	s1 =	sshrl.u32 s1, $0x2  }
0xbf: {  	s3 =	sand.u32 $0x4000, s31;
	s1 =	sadd.s32 s1, s30  }
0xc0: {  	s0 =	sor.u32 s3, s0;
	s1 =	sshll.u32 s1, $0x11  }
0xc1: {  	s0 =	sor.u32 s1, s0  }
0xc2: {  	s0 =	sadd.s32 $0x8F2B, s0  }
0xc3: {  	[sflag:s0] =	ssyncadd.remote.s32 $0x1  }
0xc4: {  	_ =	sfence.sel $0xFFFF  }
0xc5: {  	[dreg:$0x0] =	wrdreg $0xFFFFFFFF;
	(pc) =	sbr.abs _section_cstart, $3  }
0xc6: {  	[dreg:$0x1] =	wrdreg $0xFFFFFFFF  }
0xc7: {  	_ =	task.clear_ibuf [dreg:s8], $0x2FFFF;
	_ =	strace $0x9FFFFFFF  }
0xc8: {  	(tm) =	ssettm $0x7FFFFFFF  }
0xc9: {  	_ =	shalt  }
tec
execute0_lowered:
.L_overlay_start_1:
0x0: {  	(tag) =	ssettag $0x1  }
0x1: {  	s5 =	srdreg.scid  }
0x2: {  	s0 =	stileid.u32;
	s2 =	rddreg [dreg:$0x0];
	s17 =	simm.s32 $0x1  }
0x3: {  	s18 =	simm.s32 $0x2;
	s19 =	simm.s32 $0x3;
	s10 =	smul.u32 $0x18000, s0  }
0x4: {  	s20 =	simm.s32 $0x4;
	s21 =	simm.s32 $0x5;
	s12 =	smul.u32 $0x30, s0  }
0x5: {  	s9 =	sand.u32 $0x1, s5;
	s1 =	sshll.u32 s0, $0x1;
	s15 =	smul.u32 $0x60000, s0  }
0x6: {  	s22 =	simm.s32 $0x6;
	s1 =	sor.u32 s9, s1;
	s11 =	smul.u32 $0xC000, s9  }
0x7: {  	s23 =	simm.s32 $0x7;
	s24 =	simm.s32 $0x8;
	s3 =	smul.u32 $0x18, s1  }
0x8: {  	s25 =	simm.s32 $0x0;
	s5 =	sshll.u32 s5, $0x11;
	s13 =	smul.u32 $0x18, s9  }
0x9: {  	s29 =	ssub.s32 $0x2, s9;
	s16 =	smul.u32 $0x30000, s9;
	s4 =	sshrl.u32 s3, $0x4  }
0xa: {  	s6 =	smul.u32 $0x180000, s1;
	s30 =	sshrl.u32 s29, $0x1;
	s7 =	sand.u32 $0xF, s4  }
0xb: {  	s5 =	sand.u32 $0x20000, s5;
	s14 =	ssub.s32 s29, s30;
	s7 =	smul.u32 $0x10CD10, s7  }
0xc: {  	s10 =	sadd.s32 s11, s10;
	s12 =	sadd.s32 s13, s12;
	s13 =	sadd.s32 s16, s15  }
0xd: {  	s15 =	simm.s32 $0x8000;
	s6 =	sand.u32 $0x3000000, s6;
	s7 =	sand.u32 $0xFC0000, s7  }
0xe: {  	s16 =	simm.s32 $0xC000;
	s3 =	rddreg [dreg:$0x1];
	s6 =	sor.u32 s6, s7  }
.Ltmp0:
0xf: {  	s9 =	smax.u32 s14, $0x1;
	s5 =	sor.u32 s5, s6;
	(pc) =	sbr.rel .LBB2_1-.Ltmp0, $4  }
0x10: {  	s12 =	sor.u32 $0x7, s12;
	s4 =	simm.s32 $0x0;
	s5 =	sshrl.u32 s5, $0x3  }
0x11: {  	s14 =	simm.s32 $0x4000;
	[smem:$0x7FF] =	sst s4;
	s5 =	sadd.s32 s2, s5  }
0x12: {  	s11 =	sadd.s32 s3, s10;
	_ =	strace $0x80000047;
	s31 =	sadd.s32 $0x800, s5  }
0x13: {  	s7 =	sadd.s32 $0x1000, s5;
	s8 =	sadd.s32 $0x1800, s5;
	[dreg:$0x3] =	wrdreg s31  }
.LBB2_4:
0x14: {  	_ =	swait.ge [sflag:s22], $0x4000  }
0x15: {  	[sflag:s22] =	ssyncset.done $0x0  }
0x16: {  	s25 =	sadd.s32 $0x1, s25;
	[sflag:s22] =	ssyncadd.s32 $0xFFFFC000  }
0x17: {  	p0 =	sne.s32 s25, s9;
	_ =	swait.ge [sflag:s23], $0x4000  }
.Ltmp1:
0x18: {  	[sflag:s23] =	ssyncset.done $0x0;
	(pc) =	sbr.rel @!p0 .LBB2_5-.Ltmp1, $4  }
0x19: {  	[sflag:s23] =	ssyncadd.s32 $0xFFFFC000  }
0x1a: {  	_ =	swait.ge [sflag:s24], $0x4000  }
0x1b: {  	[sflag:s24] =	ssyncset.done $0x0  }
0x1c: {  	[sflag:s24] =	ssyncadd.s32 $0xFFFFC000  }
.LBB2_1:
0x1d: {  	[tilespmem:s4], [sflag:$0x1] =	stream.linear.gather [hbm4b:s5+s4], $0x4000, $0x38;
	[tilespmem:$0x10000] =	vst v63  }
0x1e: {  	s0 =	rddreg [dreg:$0x3]  }
0x1f: {  	[tilespmem:s14], [sflag:$0x2] =	stream.linear.gather [hbm4b:s0+s4], $0x4000, $0x38;
	[tilespmem:$0x10000] =	vst v63  }
0x20: {  	_ = 	snop  }
0x21: {  	[tilespmem:s15], [sflag:$0x3] =	stream.linear.gather [hbm4b:s7+s4], $0x4000, $0x38;
	[tilespmem:$0x10000] =	vst v63  }
0x22: {  	s29 =	smov.u32 s13;
	s26 =	smov.u32 s12;
	s28 =	simm.s32 $0x0  }
0x23: {  	[tilespmem:s16], [sflag:$0x4] =	stream.linear.gather [hbm4b:s8+s4], $0x4000, $0x38;
	[tilespmem:$0x10000] =	vst v63  }
.LBB2_2:
0x24: {  	_ =	swait.ge [sflag:s17], $0x4000  }
0x25: {  	s30 =	sadd.s32 s28, s10;
	[sflag:s17] =	ssyncset.done $0x0  }
0x26: {  	s1 =	sadd.s32 s28, s11;
	s31 =	sand.u32 $0xFFF8000, s30;
	[sflag:s17] =	ssyncadd.s32 $0xFFFFC000  }
0x27: {  	[hbm4b:s1+s4] =	stream.linear.scatter [tilespmem:s4], [sflag:$0x5], $0x4000, $0x38;
	[tilespmem:$0x10000] =	vst v63  }
0x28: {  	s0 =	sand.u32 $0x6000, s30;
	s31 =	sadd.s32 s3, s31;
	_ =	swait.ge [sflag:s18], $0x4000  }
0x29: {  	s1 =	sadd.s32 s0, s31;
	[sflag:s18] =	ssyncset.done $0x0  }
0x2a: {  	s31 =	sadd.s32 $0x800, s1;
	[sflag:s18] =	ssyncadd.s32 $0xFFFFC000  }
0x2b: {  	[hbm4b:s31+s4] =	stream.linear.scatter [tilespmem:s14], [sflag:$0x6], $0x4000, $0x38;
	[tilespmem:$0x10000] =	vst v63  }
0x2c: {  	_ =	swait.ge [sflag:s19], $0x4000  }
0x2d: {  	[sflag:s19] =	ssyncset.done $0x0  }
0x2e: {  	s6 =	sadd.s32 $0x1000, s1;
	[sflag:s19] =	ssyncadd.s32 $0xFFFFC000  }
0x2f: {  	[hbm4b:s6+s4] =	stream.linear.scatter [tilespmem:s15], [sflag:$0x7], $0x4000, $0x38;
	[tilespmem:$0x10000] =	vst v63  }
0x30: {  	_ =	swait.ge [sflag:s20], $0x4000  }
0x31: {  	p0 =	seq.s32 s28, $0xA000;
	[sflag:s20] =	ssyncset.done $0x0  }
.Ltmp2:
0x32: {  	s1 =	sadd.s32 $0x1800, s1;
	[sflag:s20] =	ssyncadd.s32 $0xFFFFC000;
	(pc) =	sbr.rel @p0 .LBB2_4-.Ltmp2, $4  }
0x33: {  	[hbm4b:s1+s4] =	stream.linear.scatter [tilespmem:s16], [sflag:$0x8], $0x4000, $0x38;
	[tilespmem:$0x10000] =	vst v63  }
0x34: {  	_ =	swait.ge [sflag:s21], $0x4000  }
0x35: {  	[sflag:s21] =	ssyncset.done $0x0  }
0x36: {  	[sflag:s21] =	ssyncadd.s32 $0xFFFFC000  }
0x37: {  	s1 =	sadd.s32 $0xFFFFFFFD, s26  }
0x38: {  	s1 =	sshrl.u32 s1, $0x4  }
0x39: {  	s1 =	sand.u32 $0xF, s1  }
0x3a: {  	s31 =	sadd.s32 $0x8000, s29;
	s1 =	smul.u32 $0x43344, s1  }
0x3b: {  	s6 =	sadd.s32 $0x2000, s30;
	s0 =	sand.u32 $0xFE00000, s31  }
0x3c: {  	s6 =	sand.u32 $0x6000, s6;
	s0 =	sadd.s32 s2, s0;
	s1 =	sshrl.u32 s1, $0x1  }
0x3d: {  	s0 =	sadd.s32 s6, s0;
	s1 =	sand.u32 $0x1F8000, s1  }
0x3e: {  	s0 =	sadd.s32 s1, s0;
	s1 =	sadd.s32 $0xFFFFFFFE, s26  }
0x3f: {  	[tilespmem:s4], [sflag:$0x1] =	stream.linear.gather [hbm4b:s0+s4], $0x4000, $0x38;
	[tilespmem:$0x10000] =	vst v63  }
0x40: {  	s0 =	sshrl.u32 s1, $0x4  }
0x41: {  	s0 =	sand.u32 $0xF, s0  }
0x42: {  	s6 =	sadd.s32 $0xA000, s29;
	s0 =	smul.u32 $0x43344, s0  }
0x43: {  	s1 =	sand.u32 $0xFE00000, s6;
	s6 =	sadd.s32 $0x2800, s30;
	_ =	swait.ge [sflag:s22], $0x4000  }
0x44: {  	s6 =	sand.u32 $0x6800, s6;
	s1 =	sadd.s32 s2, s1;
	s0 =	sshrl.u32 s0, $0x1  }
0x45: {  	[sflag:s22] =	ssyncset.done $0x0;
	s1 =	sadd.s32 s6, s1;
	s0 =	sand.u32 $0x1F8000, s0  }
0x46: {  	[sflag:s22] =	ssyncadd.s32 $0xFFFFC000;
	s0 =	sadd.s32 s0, s1;
	s1 =	sadd.s32 $0xFFFFFFFF, s26  }
0x47: {  	[tilespmem:s14], [sflag:$0x2] =	stream.linear.gather [hbm4b:s0+s4], $0x4000, $0x38;
	[tilespmem:$0x10000] =	vst v63  }
0x48: {  	s0 =	sshrl.u32 s1, $0x4  }
0x49: {  	s0 =	sand.u32 $0xF, s0  }
0x4a: {  	s6 =	sadd.s32 $0xC000, s29;
	s0 =	smul.u32 $0x43344, s0  }
0x4b: {  	s1 =	sand.u32 $0xFE00000, s6;
	s6 =	sadd.s32 $0x3000, s30;
	_ =	swait.ge [sflag:s23], $0x4000  }
0x4c: {  	s6 =	sand.u32 $0x7000, s6;
	s1 =	sadd.s32 s2, s1;
	s0 =	sshrl.u32 s0, $0x1  }
0x4d: {  	[sflag:s23] =	ssyncset.done $0x0;
	s1 =	sadd.s32 s6, s1;
	s0 =	sand.u32 $0x1F8000, s0  }
0x4e: {  	[sflag:s23] =	ssyncadd.s32 $0xFFFFC000;
	s0 =	sadd.s32 s0, s1;
	s1 =	sshrl.u32 s26, $0x4  }
0x4f: {  	[tilespmem:s15], [sflag:$0x3] =	stream.linear.gather [hbm4b:s0+s4], $0x4000, $0x38;
	[tilespmem:$0x10000] =	vst v63  }
0x50: {  	s28 =	sadd.s32 $0x2000, s28;
	s30 =	sadd.s32 $0x3800, s30;
	s0 =	sand.u32 $0xF, s1  }
0x51: {  	s6 =	sadd.s32 $0xE000, s29;
	s29 =	smov.u32 s31;
	s0 =	smul.u32 $0x43344, s0  }
.Ltmp3:
0x52: {  	s1 =	sand.u32 $0xFE00000, s6;
	s6 =	sand.u32 $0x7800, s30;
	(pc) =	sbr.rel .LBB2_2-.Ltmp3, $4  }
0x53: {  	_ =	swait.ge [sflag:s24], $0x4000;
	s1 =	sadd.s32 s2, s1;
	s0 =	sshrl.u32 s0, $0x1  }
0x54: {  	[sflag:s24] =	ssyncset.done $0x0;
	s1 =	sadd.s32 s6, s1;
	s0 =	sand.u32 $0x1F8000, s0  }
0x55: {  	s26 =	sadd.s32 $0x4, s26;
	[sflag:s24] =	ssyncadd.s32 $0xFFFFC000;
	s0 =	sadd.s32 s0, s1  }
0x56: {  	[tilespmem:s16], [sflag:$0x4] =	stream.linear.gather [hbm4b:s0+s4], $0x4000, $0x38;
	[tilespmem:$0x10000] =	vst v63  }
.LBB2_5:
0x57: {  	_ =	sfence.sel $0x180000  }
0x58: {  	[bflag:$0x0] =	sbarrier.arrive $0xFFFF  }
0x59: {  	_ =	strace $0x90000047  }
0x5a: {  	s0 =	stileid.u32;
	[bflag:$0x2] =	sbarrier.arrive $0xFFFF  }
0x5b: {  	p0 =	sne.s32 s0, $0x0;
	s0 =	rddreg [dreg:$0x2]  }
0x5c: {  	s0 =	sadd.s32 @!p0 $0x100000, s0  }
0x5d: {  	[sflag:s0] =	ssyncadd.tile.s32 @!p0 $0x1;
	_ =	shalt  }
.Lfunc_end2:
_tile_overlayer_lowered:
.L_overlay_start_2:
0x5e: {  	(tag) =	ssettag $0x2  }
0x5f: {  	s0 =	rddreg [dreg:$0x0];
	s2 =	stileid.u32  }
0x60: {  	s1 =	rddreg [dreg:$0x1];
	p0 =	sne.s32 s2, $0x0  }
0x61: {  	s3 =	rddreg [dreg:$0x2];
	[bflag:$0x3] =	sbarrier.arrive $0xFFFF;
	s2 =	simm.s32 @!p0 $0x1C09  }
0x62: {  	[timem:s3], [sflag:s2] =	dma.local @!p0 [hbm:s0], s1  }
0x63: {  	s0 =	simm.s32 @!p0 $0x9  }
0x64: {  	_ =	swait.ge @!p0 [sflag:s0], s1  }
0x65: {  	s1 =	ssub.s32 @!p0 $0x0, s1;
	[sflag:s0] =	ssyncset.done @!p0 $0x0  }
0x66: {  	[sflag:s0] =	ssyncadd.s32 @!p0 s1  }
0x67: {  	[bflag:$0x3] =	sbarrier.arrive $0xFFFF  }
0x68: {  	_ =	shalt  }

</sc_bundles>
